<compile_context>
chip_gen: v7x
topology: tpu7x:2x2x1
jax: 0.10.2.dev20260603
libtpu: 0.0.44.dev20260713+nightly
codegen_flags: <defaults>
</compile_context>

<pallas_src>
import functools

import jax
import jax.numpy as jnp
from jax import lax
from jax.experimental import pallas as pl
from jax.experimental.pallas import tpu as pltpu
from jax.experimental.pallas import tpu_sc as plsc

N = 10000
E = 320000
D = 128
C = 3
B = 5000

NC = 2
NS = 16
NW = NC * NS

CH = 128
CPW = 79
EPW = CH * CPW
EPAD = EPW * NW
NPAD = 10112
ZR = NPAD // NS
WB = 624

GCH = 80
GPW = 2 * GCH
BPAD = GPW * NW

BM = 1000



def _linear_body(x_ref, w_ref, b_ref, o_ref):
    o_ref[...] = (
        jnp.dot(x_ref[...], w_ref[...], preferred_element_type=jnp.float32)
        + b_ref[...]
    )


def _linear(x, W, b2d):
    return pl.pallas_call(
        _linear_body,
        grid=(N // BM,),
        in_specs=[
            pl.BlockSpec((BM, D), lambda i: (i, 0)),
            pl.BlockSpec((D, D), lambda i: (0, 0)),
            pl.BlockSpec((1, D), lambda i: (0, 0)),
        ],
        out_specs=pl.BlockSpec((BM, D), lambda i: (i, 0)),
        out_shape=jax.ShapeDtypeStruct((N, D), jnp.float32),
    )(x, W, b2d)


def _combine_linear_body(p0_ref, p1_ref, h_ref, w_ref, b_ref, o_ref):
    act = jnp.maximum(p0_ref[...] + p1_ref[...] + h_ref[...], 0.0)
    o_ref[...] = (
        jnp.dot(act, w_ref[...], preferred_element_type=jnp.float32)
        + b_ref[...]
    )


def _combine_linear(p, h, W, b2d):
    return pl.pallas_call(
        _combine_linear_body,
        grid=(N // BM,),
        in_specs=[
            pl.BlockSpec((BM, D), lambda i: (i, 0)),
            pl.BlockSpec((BM, D), lambda i: (i + N // BM, 0)),
            pl.BlockSpec((BM, D), lambda i: (i, 0)),
            pl.BlockSpec((D, D), lambda i: (0, 0)),
            pl.BlockSpec((1, D), lambda i: (0, 0)),
        ],
        out_specs=pl.BlockSpec((BM, D), lambda i: (i, 0)),
        out_shape=jax.ShapeDtypeStruct((N, D), jnp.float32),
    )(p, p, h, W, b2d)


def _head_body(p0_ref, p1_ref, h_ref, w_ref, b_ref, xe_ref, out_ref, yp_ref):
    xe = jnp.maximum(p0_ref[...] + p1_ref[...] + h_ref[...], 0.0)
    xe_ref[...] = xe
    logits = (
        jnp.dot(xe, w_ref[...], preferred_element_type=jnp.float32)
        + b_ref[...]
    )
    out_ref[...] = logits
    m = jnp.max(logits, axis=1, keepdims=True)
    idx = lax.broadcasted_iota(jnp.int32, logits.shape, 1)
    yp_ref[...] = jnp.min(jnp.where(logits == m, idx, D), axis=1,
                          keepdims=True)


def _head(p, h, Wp, bp2d):
    return pl.pallas_call(
        _head_body,
        grid=(N // BM,),
        in_specs=[
            pl.BlockSpec((BM, D), lambda i: (i, 0)),
            pl.BlockSpec((BM, D), lambda i: (i + N // BM, 0)),
            pl.BlockSpec((BM, D), lambda i: (i, 0)),
            pl.BlockSpec((D, D), lambda i: (0, 0)),
            pl.BlockSpec((1, D), lambda i: (0, 0)),
        ],
        out_specs=[
            pl.BlockSpec((BM, D), lambda i: (i, 0)),
            pl.BlockSpec((BM, D), lambda i: (i, 0)),
            pl.BlockSpec((BM, 1), lambda i: (i, 0)),
        ],
        out_shape=[
            jax.ShapeDtypeStruct((N, D), jnp.float32),
            jax.ShapeDtypeStruct((N, D), jnp.float32),
            jax.ShapeDtypeStruct((N, 1), jnp.int32),
        ],
    )(p, p, h, Wp, bp2d)



def _segsum(h, src3, dst3, zrows):
    mesh = plsc.VectorSubcoreMesh(core_axis_name="c", subcore_axis_name="s")

    @functools.partial(
        pl.kernel,
        out_type=jax.ShapeDtypeStruct((2 * N, D), jnp.float32),
        mesh=mesh,
        scratch_types=[
            pltpu.VMEM((CPW, CH), jnp.int32),
            pltpu.VMEM((CPW, CH), jnp.int32),
            pltpu.VMEM((CH, D), jnp.float32),
            pltpu.VMEM_SHARED((NPAD, D), jnp.float32),
            pltpu.SemaphoreType.DMA,
        ],
    )
    def k(h_hbm, src_hbm, dst_hbm, z_hbm, out_hbm, src_v, dst_v, rows_v,
          agg_sh, sem):
        cid = lax.axis_index("c")
        sid = lax.axis_index("s")
        wid = sid * NC + cid
        pltpu.sync_copy(z_hbm, agg_sh.at[pl.ds(sid * ZR, ZR)])
        pltpu.sync_copy(src_hbm.at[wid], src_v)
        pltpu.sync_copy(dst_hbm.at[wid], dst_v)
        plsc.subcore_barrier()

        def body(j, carry):
            pltpu.async_copy(h_hbm.at[src_v.at[j]], rows_v, sem).wait()
            pltpu.sync_copy(rows_v, agg_sh.at[dst_v.at[j]], add=True)
            return carry

        lax.fori_loop(0, CPW, body, 0)
        plsc.subcore_barrier()
        pltpu.sync_copy(
            agg_sh.at[pl.ds(sid * WB, WB)],
            out_hbm.at[pl.ds(cid * N + sid * WB, WB)],
        )

        @pl.when(sid == NS - 1)
        def _tail():
            pltpu.sync_copy(
                agg_sh.at[pl.ds(NS * WB, N - NS * WB)],
                out_hbm.at[pl.ds(cid * N + NS * WB, N - NS * WB)],
            )

    return k(h, src3, dst3, zrows)


def _gather_outputs(logits, ni3):
    mesh = plsc.VectorSubcoreMesh(core_axis_name="c", subcore_axis_name="s")

    @functools.partial(
        pl.kernel,
        out_type=jax.ShapeDtypeStruct((BPAD, D), jnp.float32),
        mesh=mesh,
        scratch_types=[
            pltpu.VMEM((2, GCH), jnp.int32),
            pltpu.VMEM((GCH, D), jnp.float32),
            pltpu.SemaphoreType.DMA,
        ],
    )
    def k(log_hbm, ni_hbm, rows_hbm, ni_v, rows_v, sem):
        cid = lax.axis_index("c")
        sid = lax.axis_index("s")
        wid = sid * NC + cid
        pltpu.sync_copy(ni_hbm.at[wid], ni_v)

        def chunk(j, carry):
            pltpu.async_copy(log_hbm.at[ni_v.at[j]], rows_v, sem).wait()
            pltpu.sync_copy(
                rows_v, rows_hbm.at[pl.ds(wid * GPW + j * GCH, GCH)]
            )
            return carry

        lax.fori_loop(0, 2, chunk, 0)

    return k(logits, ni3)


def _row_argmax_body(r_ref, yv_ref):
    logits = r_ref[...]
    m = jnp.max(logits, axis=1, keepdims=True)
    idx = lax.broadcasted_iota(jnp.int32, logits.shape, 1)
    yv_ref[...] = jnp.min(jnp.where(logits == m, idx, D), axis=1,
                          keepdims=True)


def _row_argmax(rows):
    return pl.pallas_call(
        _row_argmax_body,
        grid=(BPAD // 640,),
        in_specs=[pl.BlockSpec((640, D), lambda i: (i, 0))],
        out_specs=pl.BlockSpec((640, 1), lambda i: (i, 0)),
        out_shape=jax.ShapeDtypeStruct((BPAD, 1), jnp.int32),
    )(rows)



def kernel(x, edge_index, node_label, node_index, W1, b1, W2, b2, W3, b3,
           Wout, bout):
    del node_label

    src = edge_index[0]
    dst = edge_index[1]
    pad = EPAD - E
    src3 = jnp.concatenate([src, jnp.zeros((pad,), jnp.int32)]).reshape(
        NW, CPW, CH)
    dst3 = jnp.concatenate([dst, jnp.full((pad,), N, jnp.int32)]).reshape(
        NW, CPW, CH)
    zrows = jnp.zeros((ZR, D), jnp.float32)

    b1r = b1.reshape(1, D)
    b2r = b2.reshape(1, D)
    b3r = b3.reshape(1, D)
    Wp = jnp.zeros((D, D), jnp.float32).at[:, :C].set(Wout)
    bp = jnp.full((D,), -1e30, jnp.float32).at[:C].set(bout).reshape(1, D)

    h1 = _linear(x, W1, b1r)
    p1 = _segsum(h1, src3, dst3, zrows)
    h2 = _combine_linear(p1, h1, W2, b2r)
    p2 = _segsum(h2, src3, dst3, zrows)
    h3 = _combine_linear(p2, h2, W3, b3r)
    p3 = _segsum(h3, src3, dst3, zrows)
    x_embed, logits_pad, yp2d = _head(p3, h3, Wp, bp)
    ypred = yp2d.reshape(N)

    ni3 = jnp.concatenate(
        [node_index, jnp.zeros((BPAD - B,), jnp.int32)]).reshape(NW, 2, GCH)
    rows = _gather_outputs(logits_pad, ni3)
    yv = _row_argmax(rows)

    node_output = rows[:B, :C]
    y_nodepred = yv.reshape(BPAD)[:B]
    return (x_embed, node_output, ypred, y_nodepred)

# --- scband reference (transcript-rebuilt; emitter-appended) ---
"""Pipeline reference for scband-gin-46153718563030 (READ-ONLY COPY).

The authoritative reference and input builder live on the scoring server;
editing this copy changes nothing except your own understanding.
"""

import jax, jax.numpy as jnp
import numpy as np

N = 10000
E = 320000
D = 128
C = 3
B = 5000


def _init_linear(key, fan_in, fan_out):
    kw, kb = jax.random.split(key)
    bound = 1.0 / np.sqrt(fan_in)
    W = jax.random.uniform(kw, (fan_in, fan_out), jnp.float32, -bound, bound)
    b = jax.random.uniform(kb, (fan_out,), jnp.float32, -bound, bound)
    return W, b


def setup_inputs(seed: int = 0) -> dict:
    key = jax.random.key(seed)
    ks = jax.random.split(key, 8)
    x = jax.random.normal(ks[0], (N, D), jnp.float32)
    edge_index = jax.random.randint(ks[1], (2, E), 0, N, jnp.int32)
    node_label = jax.random.uniform(ks[2], (N, 1, C), jnp.float32)
    node_index = jax.random.randint(ks[3], (B,), 0, N, jnp.int32)
    W1, b1 = _init_linear(ks[4], D, D)
    W2, b2 = _init_linear(ks[5], D, D)
    W3, b3 = _init_linear(ks[6], D, D)
    Wout, bout = _init_linear(ks[7], D, C)
    return {"x": x, "edge_index": edge_index, "node_label": node_label,
            "node_index": node_index, "W1": W1, "b1": b1, "W2": W2, "b2": b2,
            "W3": W3, "b3": b3, "Wout": Wout, "bout": bout}


def _gin_conv(x, edge_index, W, b, eps=0.0):
    # x' = relu( sum_{j in N(i)} h_j + (1+eps) * h_i ), h = Linear(x)
    h = x @ W + b
    src = edge_index[0]
    dst = edge_index[1]
    msgs = jnp.take(h, src, axis=0)
    agg = jax.ops.segment_sum(msgs, dst, num_segments=N)
    return jax.nn.relu(agg + (1.0 + eps) * h)


def reference(x, edge_index, node_label, node_index, W1, b1, W2, b2, W3, b3, Wout, bout):
    lrelu = lambda v: jax.nn.leaky_relu(v, negative_slope=0.2)
    h = lrelu(_gin_conv(x, edge_index, W1, b1))
    h = lrelu(_gin_conv(h, edge_index, W2, b2))
    h = lrelu(_gin_conv(h, edge_index, W3, b3))
    x_embed = h
    output = h @ Wout + bout
    node_output = jnp.take(output, node_index, axis=0)
    ypred = jnp.argmax(output, axis=1)
    y_nodepred = jnp.take(ypred, node_index, axis=0)
    return (x_embed, node_output, ypred, y_nodepred)

if __name__ == "__main__":
    import jax
    _d = setup_inputs()
    print(jax.jit(kernel)(*tuple(_d.values())))

</pallas_src>

<mosaic_0001>
#map = affine_map<(d0, d1) -> (0, 0)>
#map1 = affine_map<(d0, d1) -> (0, 0, 0)>
module attributes {stable_mosaic.version = 14 : i64} {
  func.func @k(%arg0: i32, %arg1: i32, %arg2: memref<10000x128xf32, #tpu.memory_space<hbm>>, %arg3: memref<32x79x128xi32, #tpu.memory_space<hbm>>, %arg4: memref<32x79x128xi32, #tpu.memory_space<hbm>>, %arg5: memref<632x128xf32, #tpu.memory_space<hbm>>, %arg6: memref<20000x128xf32, #tpu.memory_space<hbm>>, %arg7: memref<79x128xi32, #tpu.memory_space<vmem>>, %arg8: memref<79x128xi32, #tpu.memory_space<vmem>>, %arg9: memref<128x128xf32, #tpu.memory_space<vmem>>, %arg10: memref<10112x128xf32, #tpu.memory_space<vmem_shared>>, %arg11: memref<!tpu.dma_semaphore, #tpu.memory_space<semaphore_mem>>) attributes {dimension_semantics = [#tpu.dimension_semantics<core_parallel>, #tpu.dimension_semantics<subcore_parallel>], iteration_bounds = array<i64: 2, 16>, scalar_prefetch = 0 : i64, scratch_operands = 5 : i64, tpu.core_type = #tpu.core_type<sc_vector_subcore>, window_params = [{transform_indices = #map}, {transform_indices = #map1}, {transform_indices = #map1}, {transform_indices = #map}, {transform_indices = #map}]} {
    %mul3A = arith.constant 2 : i32
    %mul3A_0 = arith.muli %arg1, %mul3A : i32
    %add3A = arith.addi %mul3A_0, %arg0 : i32
    %mul3A_1 = arith.constant 632 : i32
    %mul3A_2 = arith.muli %arg1, %mul3A_1 : i32
    "tpu.region"() ({
      %run_scoped3A = tpu.sem_alloc : memref<!tpu.dma_semaphore, #tpu.memory_space<semaphore_mem>>
      %dma_start3A = arith.constant 0 : i32
      %dma_start3A_18 = tpu.memref_slice %arg10[%mul3A_2, %dma_start3A] : memref<10112x128xf32, #tpu.memory_space<vmem_shared>> -> memref<632x128xf32, #tpu.memory_space<vmem_shared>>
      tpu.enqueue_dma source(%arg5 : memref<632x128xf32, #tpu.memory_space<hbm>>) target(%dma_start3A_18 : memref<632x128xf32, #tpu.memory_space<vmem_shared>>) target_semaphore(%run_scoped3A : memref<!tpu.dma_semaphore, #tpu.memory_space<semaphore_mem>>)
      %dma_wait3A = arith.constant 0 : i32
      %dma_wait3A_19 = tpu.memref_slice %arg10[%mul3A_2, %dma_wait3A] : memref<10112x128xf32, #tpu.memory_space<vmem_shared>> -> memref<632x128xf32, #tpu.memory_space<vmem_shared>>
      tpu.wait_dma2 semaphore(%run_scoped3A : memref<!tpu.dma_semaphore, #tpu.memory_space<semaphore_mem>>) src(%arg5 : memref<632x128xf32, #tpu.memory_space<hbm>>) dst(%dma_wait3A_19 : memref<632x128xf32, #tpu.memory_space<vmem_shared>>)
      tpu.yield
    }) : () -> ()
    "tpu.region"() ({
      %run_scoped3A = tpu.sem_alloc : memref<!tpu.dma_semaphore, #tpu.memory_space<semaphore_mem>>
      %dma_start3A = arith.constant 0 : i32
      %dma_start3A_18 = arith.constant 0 : i32
      %dma_start3A_19 = tpu.memref_slice %arg3[%add3A, %dma_start3A, %dma_start3A_18] : memref<32x79x128xi32, #tpu.memory_space<hbm>> -> memref<1x79x128xi32, #tpu.memory_space<hbm>>
      %dma_start3A_20 = tpu.memref_squeeze %dma_start3A_19 : memref<1x79x128xi32, #tpu.memory_space<hbm>> -> memref<79x128xi32, #tpu.memory_space<hbm>>
      %dma_start3A_21 = arith.constant 0 : i32
      %dma_start3A_22 = arith.constant 0 : i32
      %dma_start3A_23 = tpu.memref_slice %arg3[%add3A, %dma_start3A_21, %dma_start3A_22] : memref<32x79x128xi32, #tpu.memory_space<hbm>> -> memref<1x79x128xi32, #tpu.memory_space<hbm>>
      %dma_start3A_24 = tpu.memref_squeeze %dma_start3A_23 : memref<1x79x128xi32, #tpu.memory_space<hbm>> -> memref<79x128xi32, #tpu.memory_space<hbm>>
      tpu.enqueue_dma source(%dma_start3A_24 : memref<79x128xi32, #tpu.memory_space<hbm>>) target(%arg7 : memref<79x128xi32, #tpu.memory_space<vmem>>) target_semaphore(%run_scoped3A : memref<!tpu.dma_semaphore, #tpu.memory_space<semaphore_mem>>)
      %dma_wait3A = arith.constant 0 : i32
      %dma_wait3A_25 = arith.constant 0 : i32
      %dma_wait3A_26 = tpu.memref_slice %arg3[%add3A, %dma_wait3A, %dma_wait3A_25] : memref<32x79x128xi32, #tpu.memory_space<hbm>> -> memref<1x79x128xi32, #tpu.memory_space<hbm>>
      %dma_wait3A_27 = tpu.memref_squeeze %dma_wait3A_26 : memref<1x79x128xi32, #tpu.memory_space<hbm>> -> memref<79x128xi32, #tpu.memory_space<hbm>>
      %dma_wait3A_28 = arith.constant 0 : i32
      %dma_wait3A_29 = arith.constant 0 : i32
      %dma_wait3A_30 = tpu.memref_slice %arg3[%add3A, %dma_wait3A_28, %dma_wait3A_29] : memref<32x79x128xi32, #tpu.memory_space<hbm>> -> memref<1x79x128xi32, #tpu.memory_space<hbm>>
      %dma_wait3A_31 = tpu.memref_squeeze %dma_wait3A_30 : memref<1x79x128xi32, #tpu.memory_space<hbm>> -> memref<79x128xi32, #tpu.memory_space<hbm>>
      tpu.wait_dma2 semaphore(%run_scoped3A : memref<!tpu.dma_semaphore, #tpu.memory_space<semaphore_mem>>) src(%dma_wait3A_31 : memref<79x128xi32, #tpu.memory_space<hbm>>) dst(%arg7 : memref<79x128xi32, #tpu.memory_space<vmem>>)
      tpu.yield
    }) : () -> ()
    "tpu.region"() ({
      %run_scoped3A = tpu.sem_alloc : memref<!tpu.dma_semaphore, #tpu.memory_space<semaphore_mem>>
      %dma_start3A = arith.constant 0 : i32
      %dma_start3A_18 = arith.constant 0 : i32
      %dma_start3A_19 = tpu.memref_slice %arg4[%add3A, %dma_start3A, %dma_start3A_18] : memref<32x79x128xi32, #tpu.memory_space<hbm>> -> memref<1x79x128xi32, #tpu.memory_space<hbm>>
      %dma_start3A_20 = tpu.memref_squeeze %dma_start3A_19 : memref<1x79x128xi32, #tpu.memory_space<hbm>> -> memref<79x128xi32, #tpu.memory_space<hbm>>
      %dma_start3A_21 = arith.constant 0 : i32
      %dma_start3A_22 = arith.constant 0 : i32
      %dma_start3A_23 = tpu.memref_slice %arg4[%add3A, %dma_start3A_21, %dma_start3A_22] : memref<32x79x128xi32, #tpu.memory_space<hbm>> -> memref<1x79x128xi32, #tpu.memory_space<hbm>>
      %dma_start3A_24 = tpu.memref_squeeze %dma_start3A_23 : memref<1x79x128xi32, #tpu.memory_space<hbm>> -> memref<79x128xi32, #tpu.memory_space<hbm>>
      tpu.enqueue_dma source(%dma_start3A_24 : memref<79x128xi32, #tpu.memory_space<hbm>>) target(%arg8 : memref<79x128xi32, #tpu.memory_space<vmem>>) target_semaphore(%run_scoped3A : memref<!tpu.dma_semaphore, #tpu.memory_space<semaphore_mem>>)
      %dma_wait3A = arith.constant 0 : i32
      %dma_wait3A_25 = arith.constant 0 : i32
      %dma_wait3A_26 = tpu.memref_slice %arg4[%add3A, %dma_wait3A, %dma_wait3A_25] : memref<32x79x128xi32, #tpu.memory_space<hbm>> -> memref<1x79x128xi32, #tpu.memory_space<hbm>>
      %dma_wait3A_27 = tpu.memref_squeeze %dma_wait3A_26 : memref<1x79x128xi32, #tpu.memory_space<hbm>> -> memref<79x128xi32, #tpu.memory_space<hbm>>
      %dma_wait3A_28 = arith.constant 0 : i32
      %dma_wait3A_29 = arith.constant 0 : i32
      %dma_wait3A_30 = tpu.memref_slice %arg4[%add3A, %dma_wait3A_28, %dma_wait3A_29] : memref<32x79x128xi32, #tpu.memory_space<hbm>> -> memref<1x79x128xi32, #tpu.memory_space<hbm>>
      %dma_wait3A_31 = tpu.memref_squeeze %dma_wait3A_30 : memref<1x79x128xi32, #tpu.memory_space<hbm>> -> memref<79x128xi32, #tpu.memory_space<hbm>>
      tpu.wait_dma2 semaphore(%run_scoped3A : memref<!tpu.dma_semaphore, #tpu.memory_space<semaphore_mem>>) src(%dma_wait3A_31 : memref<79x128xi32, #tpu.memory_space<hbm>>) dst(%arg8 : memref<79x128xi32, #tpu.memory_space<vmem>>)
      tpu.yield
    }) : () -> ()
    %barrier3A = arith.constant 0 : index
    tpu.barrier barrier_id(%barrier3A)
    %scan3A = arith.constant 0 : i32
    %scan3A_3 = arith.constant 0 : i32
    %scan3A_4 = arith.constant 79 : i32
    %scan3A_5 = arith.addi %scan3A_3, %scan3A_4 : i32
    %scan3A_6 = arith.constant 1 : i32
    scf.for %scan3A_18 = %scan3A_3 to %scan3A_5 step %scan3A_6  : i32 {
      %dma_start3A = arith.constant 0 : i32
      %dma_start3A_19 = tpu.memref_slice %arg7[%scan3A_18, %dma_start3A] : memref<79x128xi32, #tpu.memory_space<vmem>> -> memref<1x128xi32, #tpu.memory_space<vmem>>
      %dma_start3A_20 = tpu.memref_squeeze %dma_start3A_19 : memref<1x128xi32, #tpu.memory_space<vmem>> -> memref<128xi32, #tpu.memory_space<vmem>>
      %dma_start3A_21 = arith.constant 0 : i32
      %dma_start3A_22 = arith.constant 0 : i32
      %dma_start3A_23 = tpu.memref_slice %arg2[%dma_start3A_21, %dma_start3A_22] : memref<10000x128xf32, #tpu.memory_space<hbm>> -> memref<10000x128xf32, #tpu.memory_space<hbm>>
      tpu.enqueue_indirect_dma source(%dma_start3A_23 : memref<10000x128xf32, #tpu.memory_space<hbm>>) target(%arg9 : memref<128x128xf32, #tpu.memory_space<vmem>>) offsets(%dma_start3A_20 : memref<128xi32, #tpu.memory_space<vmem>>) semaphore(%arg11 : memref<!tpu.dma_semaphore, #tpu.memory_space<semaphore_mem>>)
      %dma_wait3A = arith.constant 0 : i32
      %dma_wait3A_24 = tpu.memref_slice %arg7[%scan3A_18, %dma_wait3A] : memref<79x128xi32, #tpu.memory_space<vmem>> -> memref<1x128xi32, #tpu.memory_space<vmem>>
      %dma_wait3A_25 = tpu.memref_squeeze %dma_wait3A_24 : memref<1x128xi32, #tpu.memory_space<vmem>> -> memref<128xi32, #tpu.memory_space<vmem>>
      %dma_wait3A_26 = arith.constant 0 : i32
      %dma_wait3A_27 = arith.constant 0 : i32
      %dma_wait3A_28 = tpu.memref_slice %arg2[%dma_wait3A_26, %dma_wait3A_27] : memref<10000x128xf32, #tpu.memory_space<hbm>> -> memref<10000x128xf32, #tpu.memory_space<hbm>>
      tpu.wait_indirect_dma semaphore(%arg11 : memref<!tpu.dma_semaphore, #tpu.memory_space<semaphore_mem>>) src(%dma_wait3A_28 : memref<10000x128xf32, #tpu.memory_space<hbm>>) dst(%arg9 : memref<128x128xf32, #tpu.memory_space<vmem>>)
      "tpu.region"() ({
        %run_scoped3A = tpu.sem_alloc : memref<!tpu.dma_semaphore, #tpu.memory_space<semaphore_mem>>
        %dma_start3A_29 = arith.constant 0 : i32
        %dma_start3A_30 = tpu.memref_slice %arg8[%scan3A_18, %dma_start3A_29] : memref<79x128xi32, #tpu.memory_space<vmem>> -> memref<1x128xi32, #tpu.memory_space<vmem>>
        %dma_start3A_31 = tpu.memref_squeeze %dma_start3A_30 : memref<1x128xi32, #tpu.memory_space<vmem>> -> memref<128xi32, #tpu.memory_space<vmem>>
        %dma_start3A_32 = arith.constant 0 : i32
        %dma_start3A_33 = arith.constant 0 : i32
        %dma_start3A_34 = tpu.memref_slice %arg10[%dma_start3A_32, %dma_start3A_33] : memref<10112x128xf32, #tpu.memory_space<vmem_shared>> -> memref<10112x128xf32, #tpu.memory_space<vmem_shared>>
        tpu.enqueue_indirect_dma source(%arg9 : memref<128x128xf32, #tpu.memory_space<vmem>>) target(%dma_start3A_34 : memref<10112x128xf32, #tpu.memory_space<vmem_shared>>) offsets(%dma_start3A_31 : memref<128xi32, #tpu.memory_space<vmem>>) semaphore(%run_scoped3A : memref<!tpu.dma_semaphore, #tpu.memory_space<semaphore_mem>>) {add = true}
        %dma_wait3A_35 = arith.constant 0 : i32
        %dma_wait3A_36 = tpu.memref_slice %arg8[%scan3A_18, %dma_wait3A_35] : memref<79x128xi32, #tpu.memory_space<vmem>> -> memref<1x128xi32, #tpu.memory_space<vmem>>
        %dma_wait3A_37 = tpu.memref_squeeze %dma_wait3A_36 : memref<1x128xi32, #tpu.memory_space<vmem>> -> memref<128xi32, #tpu.memory_space<vmem>>
        %dma_wait3A_38 = arith.constant 0 : i32
        %dma_wait3A_39 = arith.constant 0 : i32
        %dma_wait3A_40 = tpu.memref_slice %arg10[%dma_wait3A_38, %dma_wait3A_39] : memref<10112x128xf32, #tpu.memory_space<vmem_shared>> -> memref<10112x128xf32, #tpu.memory_space<vmem_shared>>
        tpu.wait_indirect_dma semaphore(%run_scoped3A : memref<!tpu.dma_semaphore, #tpu.memory_space<semaphore_mem>>) src(%arg9 : memref<128x128xf32, #tpu.memory_space<vmem>>) dst(%dma_wait3A_40 : memref<10112x128xf32, #tpu.memory_space<vmem_shared>>)
        tpu.yield
      }) : () -> ()
    }
    %scan3A_7 = arith.constant 79 : i32
    %barrier3A_8 = arith.constant 0 : index
    tpu.barrier barrier_id(%barrier3A_8)
    %mul3A_9 = arith.constant 624 : i32
    %mul3A_10 = arith.muli %arg1, %mul3A_9 : i32
    %mul3A_11 = arith.constant 10000 : i32
    %mul3A_12 = arith.muli %arg0, %mul3A_11 : i32
    %mul3A_13 = arith.constant 624 : i32
    %mul3A_14 = arith.muli %arg1, %mul3A_13 : i32
    %add3A_15 = arith.addi %mul3A_12, %mul3A_14 : i32
    "tpu.region"() ({
      %run_scoped3A = tpu.sem_alloc : memref<!tpu.dma_semaphore, #tpu.memory_space<semaphore_mem>>
      %dma_start3A = arith.constant 0 : i32
      %dma_start3A_18 = tpu.memref_slice %arg6[%add3A_15, %dma_start3A] : memref<20000x128xf32, #tpu.memory_space<hbm>> -> memref<624x128xf32, #tpu.memory_space<hbm>>
      %dma_start3A_19 = arith.constant 0 : i32
      %dma_start3A_20 = tpu.memref_slice %arg10[%mul3A_10, %dma_start3A_19] : memref<10112x128xf32, #tpu.memory_space<vmem_shared>> -> memref<624x128xf32, #tpu.memory_space<vmem_shared>>
      tpu.enqueue_dma source(%dma_start3A_20 : memref<624x128xf32, #tpu.memory_space<vmem_shared>>) target(%dma_start3A_18 : memref<624x128xf32, #tpu.memory_space<hbm>>) target_semaphore(%run_scoped3A : memref<!tpu.dma_semaphore, #tpu.memory_space<semaphore_mem>>)
      %dma_wait3A = arith.constant 0 : i32
      %dma_wait3A_21 = tpu.memref_slice %arg6[%add3A_15, %dma_wait3A] : memref<20000x128xf32, #tpu.memory_space<hbm>> -> memref<624x128xf32, #tpu.memory_space<hbm>>
      %dma_wait3A_22 = arith.constant 0 : i32
      %dma_wait3A_23 = tpu.memref_slice %arg10[%mul3A_10, %dma_wait3A_22] : memref<10112x128xf32, #tpu.memory_space<vmem_shared>> -> memref<624x128xf32, #tpu.memory_space<vmem_shared>>
      tpu.wait_dma2 semaphore(%run_scoped3A : memref<!tpu.dma_semaphore, #tpu.memory_space<semaphore_mem>>) src(%dma_wait3A_23 : memref<624x128xf32, #tpu.memory_space<vmem_shared>>) dst(%dma_wait3A_21 : memref<624x128xf32, #tpu.memory_space<hbm>>)
      tpu.yield
    }) : () -> ()
    %eq3A = arith.constant 15 : i32
    %eq3A_16 = arith.cmpi eq, %arg1, %eq3A : i32
    %convert_element_type3A = arith.extui %eq3A_16 : i1 to i32
    %cond3A = arith.constant 0 : i32
    %cond3A_17 = arith.cmpi ne, %convert_element_type3A, %cond3A : i32
    scf.if %cond3A_17 {
      %mul3A_18 = arith.constant 10000 : i32
      %mul3A_19 = arith.muli %arg0, %mul3A_18 : i32
      %add3A_20 = arith.constant 9984 : i32
      %add3A_21 = arith.addi %mul3A_19, %add3A_20 : i32
      "tpu.region"() ({
        %run_scoped3A = tpu.sem_alloc : memref<!tpu.dma_semaphore, #tpu.memory_space<semaphore_mem>>
        %dma_start3A = arith.constant 0 : i32
        %dma_start3A_22 = tpu.memref_slice %arg6[%add3A_21, %dma_start3A] : memref<20000x128xf32, #tpu.memory_space<hbm>> -> memref<16x128xf32, #tpu.memory_space<hbm>>
        %dma_start3A_23 = arith.constant 9984 : i32
        %dma_start3A_24 = arith.constant 0 : i32
        %dma_start3A_25 = tpu.memref_slice %arg10[%dma_start3A_23, %dma_start3A_24] : memref<10112x128xf32, #tpu.memory_space<vmem_shared>> -> memref<16x128xf32, #tpu.memory_space<vmem_shared>>
        tpu.enqueue_dma source(%dma_start3A_25 : memref<16x128xf32, #tpu.memory_space<vmem_shared>>) target(%dma_start3A_22 : memref<16x128xf32, #tpu.memory_space<hbm>>) target_semaphore(%run_scoped3A : memref<!tpu.dma_semaphore, #tpu.memory_space<semaphore_mem>>)
        %dma_wait3A = arith.constant 0 : i32
        %dma_wait3A_26 = tpu.memref_slice %arg6[%add3A_21, %dma_wait3A] : memref<20000x128xf32, #tpu.memory_space<hbm>> -> memref<16x128xf32, #tpu.memory_space<hbm>>
        %dma_wait3A_27 = arith.constant 9984 : i32
        %dma_wait3A_28 = arith.constant 0 : i32
        %dma_wait3A_29 = tpu.memref_slice %arg10[%dma_wait3A_27, %dma_wait3A_28] : memref<10112x128xf32, #tpu.memory_space<vmem_shared>> -> memref<16x128xf32, #tpu.memory_space<vmem_shared>>
        tpu.wait_dma2 semaphore(%run_scoped3A : memref<!tpu.dma_semaphore, #tpu.memory_space<semaphore_mem>>) src(%dma_wait3A_29 : memref<16x128xf32, #tpu.memory_space<vmem_shared>>) dst(%dma_wait3A_26 : memref<16x128xf32, #tpu.memory_space<hbm>>)
        tpu.yield
      }) : () -> ()
    } else {
    }
    return
  }
}

#map = affine_map<(d0, d1) -> (0, 0)>
#map1 = affine_map<(d0, d1) -> (0, 0, 0)>
module attributes {stable_mosaic.version = 14 : i64} {
  func.func @k(%arg0: i32, %arg1: i32, %arg2: memref<10000x128xf32, #tpu.memory_space<hbm>>, %arg3: memref<32x79x128xi32, #tpu.memory_space<hbm>>, %arg4: memref<32x79x128xi32, #tpu.memory_space<hbm>>, %arg5: memref<632x128xf32, #tpu.memory_space<hbm>>, %arg6: memref<20000x128xf32, #tpu.memory_space<hbm>>, %arg7: memref<79x128xi32, #tpu.memory_space<vmem>>, %arg8: memref<79x128xi32, #tpu.memory_space<vmem>>, %arg9: memref<128x128xf32, #tpu.memory_space<vmem>>, %arg10: memref<10112x128xf32, #tpu.memory_space<vmem_shared>>, %arg11: memref<!tpu.dma_semaphore, #tpu.memory_space<semaphore_mem>>) attributes {dimension_semantics = [#tpu.dimension_semantics<core_parallel>, #tpu.dimension_semantics<subcore_parallel>], iteration_bounds = array<i64: 2, 16>, scalar_prefetch = 0 : i64, scratch_operands = 5 : i64, tpu.core_type = #tpu.core_type<sc_vector_subcore>, window_params = [{transform_indices = #map}, {transform_indices = #map1}, {transform_indices = #map1}, {transform_indices = #map}, {transform_indices = #map}]} {
    %mul3A = arith.constant 2 : i32
    %mul3A_0 = arith.muli %arg1, %mul3A : i32
    %add3A = arith.addi %mul3A_0, %arg0 : i32
    %mul3A_1 = arith.constant 632 : i32
    %mul3A_2 = arith.muli %arg1, %mul3A_1 : i32
    "tpu.region"() ({
      %run_scoped3A = tpu.sem_alloc : memref<!tpu.dma_semaphore, #tpu.memory_space<semaphore_mem>>
      %dma_start3A = arith.constant 0 : i32
      %dma_start3A_18 = tpu.memref_slice %arg10[%mul3A_2, %dma_start3A] : memref<10112x128xf32, #tpu.memory_space<vmem_shared>> -> memref<632x128xf32, #tpu.memory_space<vmem_shared>>
      tpu.enqueue_dma source(%arg5 : memref<632x128xf32, #tpu.memory_space<hbm>>) target(%dma_start3A_18 : memref<632x128xf32, #tpu.memory_space<vmem_shared>>) target_semaphore(%run_scoped3A : memref<!tpu.dma_semaphore, #tpu.memory_space<semaphore_mem>>)
      %dma_wait3A = arith.constant 0 : i32
      %dma_wait3A_19 = tpu.memref_slice %arg10[%mul3A_2, %dma_wait3A] : memref<10112x128xf32, #tpu.memory_space<vmem_shared>> -> memref<632x128xf32, #tpu.memory_space<vmem_shared>>
      tpu.wait_dma2 semaphore(%run_scoped3A : memref<!tpu.dma_semaphore, #tpu.memory_space<semaphore_mem>>) src(%arg5 : memref<632x128xf32, #tpu.memory_space<hbm>>) dst(%dma_wait3A_19 : memref<632x128xf32, #tpu.memory_space<vmem_shared>>)
      tpu.yield
    }) : () -> ()
    "tpu.region"() ({
      %run_scoped3A = tpu.sem_alloc : memref<!tpu.dma_semaphore, #tpu.memory_space<semaphore_mem>>
      %dma_start3A = arith.constant 0 : i32
      %dma_start3A_18 = arith.constant 0 : i32
      %dma_start3A_19 = tpu.memref_slice %arg3[%add3A, %dma_start3A, %dma_start3A_18] : memref<32x79x128xi32, #tpu.memory_space<hbm>> -> memref<1x79x128xi32, #tpu.memory_space<hbm>>
      %dma_start3A_20 = tpu.memref_squeeze %dma_start3A_19 : memref<1x79x128xi32, #tpu.memory_space<hbm>> -> memref<79x128xi32, #tpu.memory_space<hbm>>
      %dma_start3A_21 = arith.constant 0 : i32
      %dma_start3A_22 = arith.constant 0 : i32
      %dma_start3A_23 = tpu.memref_slice %arg3[%add3A, %dma_start3A_21, %dma_start3A_22] : memref<32x79x128xi32, #tpu.memory_space<hbm>> -> memref<1x79x128xi32, #tpu.memory_space<hbm>>
      %dma_start3A_24 = tpu.memref_squeeze %dma_start3A_23 : memref<1x79x128xi32, #tpu.memory_space<hbm>> -> memref<79x128xi32, #tpu.memory_space<hbm>>
      tpu.enqueue_dma source(%dma_start3A_24 : memref<79x128xi32, #tpu.memory_space<hbm>>) target(%arg7 : memref<79x128xi32, #tpu.memory_space<vmem>>) target_semaphore(%run_scoped3A : memref<!tpu.dma_semaphore, #tpu.memory_space<semaphore_mem>>)
      %dma_wait3A = arith.constant 0 : i32
      %dma_wait3A_25 = arith.constant 0 : i32
      %dma_wait3A_26 = tpu.memref_slice %arg3[%add3A, %dma_wait3A, %dma_wait3A_25] : memref<32x79x128xi32, #tpu.memory_space<hbm>> -> memref<1x79x128xi32, #tpu.memory_space<hbm>>
      %dma_wait3A_27 = tpu.memref_squeeze %dma_wait3A_26 : memref<1x79x128xi32, #tpu.memory_space<hbm>> -> memref<79x128xi32, #tpu.memory_space<hbm>>
      %dma_wait3A_28 = arith.constant 0 : i32
      %dma_wait3A_29 = arith.constant 0 : i32
      %dma_wait3A_30 = tpu.memref_slice %arg3[%add3A, %dma_wait3A_28, %dma_wait3A_29] : memref<32x79x128xi32, #tpu.memory_space<hbm>> -> memref<1x79x128xi32, #tpu.memory_space<hbm>>
      %dma_wait3A_31 = tpu.memref_squeeze %dma_wait3A_30 : memref<1x79x128xi32, #tpu.memory_space<hbm>> -> memref<79x128xi32, #tpu.memory_space<hbm>>
      tpu.wait_dma2 semaphore(%run_scoped3A : memref<!tpu.dma_semaphore, #tpu.memory_space<semaphore_mem>>) src(%dma_wait3A_31 : memref<79x128xi32, #tpu.memory_space<hbm>>) dst(%arg7 : memref<79x128xi32, #tpu.memory_space<vmem>>)
      tpu.yield
    }) : () -> ()
    "tpu.region"() ({
      %run_scoped3A = tpu.sem_alloc : memref<!tpu.dma_semaphore, #tpu.memory_space<semaphore_mem>>
      %dma_start3A = arith.constant 0 : i32
      %dma_start3A_18 = arith.constant 0 : i32
      %dma_start3A_19 = tpu.memref_slice %arg4[%add3A, %dma_start3A, %dma_start3A_18] : memref<32x79x128xi32, #tpu.memory_space<hbm>> -> memref<1x79x128xi32, #tpu.memory_space<hbm>>
      %dma_start3A_20 = tpu.memref_squeeze %dma_start3A_19 : memref<1x79x128xi32, #tpu.memory_space<hbm>> -> memref<79x128xi32, #tpu.memory_space<hbm>>
      %dma_start3A_21 = arith.constant 0 : i32
      %dma_start3A_22 = arith.constant 0 : i32
      %dma_start3A_23 = tpu.memref_slice %arg4[%add3A, %dma_start3A_21, %dma_start3A_22] : memref<32x79x128xi32, #tpu.memory_space<hbm>> -> memref<1x79x128xi32, #tpu.memory_space<hbm>>
      %dma_start3A_24 = tpu.memref_squeeze %dma_start3A_23 : memref<1x79x128xi32, #tpu.memory_space<hbm>> -> memref<79x128xi32, #tpu.memory_space<hbm>>
      tpu.enqueue_dma source(%dma_start3A_24 : memref<79x128xi32, #tpu.memory_space<hbm>>) target(%arg8 : memref<79x128xi32, #tpu.memory_space<vmem>>) target_semaphore(%run_scoped3A : memref<!tpu.dma_semaphore, #tpu.memory_space<semaphore_mem>>)
      %dma_wait3A = arith.constant 0 : i32
      %dma_wait3A_25 = arith.constant 0 : i32
      %dma_wait3A_26 = tpu.memref_slice %arg4[%add3A, %dma_wait3A, %dma_wait3A_25] : memref<32x79x128xi32, #tpu.memory_space<hbm>> -> memref<1x79x128xi32, #tpu.memory_space<hbm>>
      %dma_wait3A_27 = tpu.memref_squeeze %dma_wait3A_26 : memref<1x79x128xi32, #tpu.memory_space<hbm>> -> memref<79x128xi32, #tpu.memory_space<hbm>>
      %dma_wait3A_28 = arith.constant 0 : i32
      %dma_wait3A_29 = arith.constant 0 : i32
      %dma_wait3A_30 = tpu.memref_slice %arg4[%add3A, %dma_wait3A_28, %dma_wait3A_29] : memref<32x79x128xi32, #tpu.memory_space<hbm>> -> memref<1x79x128xi32, #tpu.memory_space<hbm>>
      %dma_wait3A_31 = tpu.memref_squeeze %dma_wait3A_30 : memref<1x79x128xi32, #tpu.memory_space<hbm>> -> memref<79x128xi32, #tpu.memory_space<hbm>>
      tpu.wait_dma2 semaphore(%run_scoped3A : memref<!tpu.dma_semaphore, #tpu.memory_space<semaphore_mem>>) src(%dma_wait3A_31 : memref<79x128xi32, #tpu.memory_space<hbm>>) dst(%arg8 : memref<79x128xi32, #tpu.memory_space<vmem>>)
      tpu.yield
    }) : () -> ()
    %barrier3A = arith.constant 0 : index
    tpu.barrier barrier_id(%barrier3A)
    %scan3A = arith.constant 0 : i32
    %scan3A_3 = arith.constant 0 : i32
    %scan3A_4 = arith.constant 79 : i32
    %scan3A_5 = arith.addi %scan3A_3, %scan3A_4 : i32
    %scan3A_6 = arith.constant 1 : i32
    scf.for %scan3A_18 = %scan3A_3 to %scan3A_5 step %scan3A_6  : i32 {
      %dma_start3A = arith.constant 0 : i32
      %dma_start3A_19 = tpu.memref_slice %arg7[%scan3A_18, %dma_start3A] : memref<79x128xi32, #tpu.memory_space<vmem>> -> memref<1x128xi32, #tpu.memory_space<vmem>>
      %dma_start3A_20 = tpu.memref_squeeze %dma_start3A_19 : memref<1x128xi32, #tpu.memory_space<vmem>> -> memref<128xi32, #tpu.memory_space<vmem>>
      %dma_start3A_21 = arith.constant 0 : i32
      %dma_start3A_22 = arith.constant 0 : i32
      %dma_start3A_23 = tpu.memref_slice %arg2[%dma_start3A_21, %dma_start3A_22] : memref<10000x128xf32, #tpu.memory_space<hbm>> -> memref<10000x128xf32, #tpu.memory_space<hbm>>
      tpu.enqueue_indirect_dma source(%dma_start3A_23 : memref<10000x128xf32, #tpu.memory_space<hbm>>) target(%arg9 : memref<128x128xf32, #tpu.memory_space<vmem>>) offsets(%dma_start3A_20 : memref<128xi32, #tpu.memory_space<vmem>>) semaphore(%arg11 : memref<!tpu.dma_semaphore, #tpu.memory_space<semaphore_mem>>)
      %dma_wait3A = arith.constant 0 : i32
      %dma_wait3A_24 = tpu.memref_slice %arg7[%scan3A_18, %dma_wait3A] : memref<79x128xi32, #tpu.memory_space<vmem>> -> memref<1x128xi32, #tpu.memory_space<vmem>>
      %dma_wait3A_25 = tpu.memref_squeeze %dma_wait3A_24 : memref<1x128xi32, #tpu.memory_space<vmem>> -> memref<128xi32, #tpu.memory_space<vmem>>
      %dma_wait3A_26 = arith.constant 0 : i32
      %dma_wait3A_27 = arith.constant 0 : i32
      %dma_wait3A_28 = tpu.memref_slice %arg2[%dma_wait3A_26, %dma_wait3A_27] : memref<10000x128xf32, #tpu.memory_space<hbm>> -> memref<10000x128xf32, #tpu.memory_space<hbm>>
      tpu.wait_indirect_dma semaphore(%arg11 : memref<!tpu.dma_semaphore, #tpu.memory_space<semaphore_mem>>) src(%dma_wait3A_28 : memref<10000x128xf32, #tpu.memory_space<hbm>>) dst(%arg9 : memref<128x128xf32, #tpu.memory_space<vmem>>)
      "tpu.region"() ({
        %run_scoped3A = tpu.sem_alloc : memref<!tpu.dma_semaphore, #tpu.memory_space<semaphore_mem>>
        %dma_start3A_29 = arith.constant 0 : i32
        %dma_start3A_30 = tpu.memref_slice %arg8[%scan3A_18, %dma_start3A_29] : memref<79x128xi32, #tpu.memory_space<vmem>> -> memref<1x128xi32, #tpu.memory_space<vmem>>
        %dma_start3A_31 = tpu.memref_squeeze %dma_start3A_30 : memref<1x128xi32, #tpu.memory_space<vmem>> -> memref<128xi32, #tpu.memory_space<vmem>>
        %dma_start3A_32 = arith.constant 0 : i32
        %dma_start3A_33 = arith.constant 0 : i32
        %dma_start3A_34 = tpu.memref_slice %arg10[%dma_start3A_32, %dma_start3A_33] : memref<10112x128xf32, #tpu.memory_space<vmem_shared>> -> memref<10112x128xf32, #tpu.memory_space<vmem_shared>>
        tpu.enqueue_indirect_dma source(%arg9 : memref<128x128xf32, #tpu.memory_space<vmem>>) target(%dma_start3A_34 : memref<10112x128xf32, #tpu.memory_space<vmem_shared>>) offsets(%dma_start3A_31 : memref<128xi32, #tpu.memory_space<vmem>>) semaphore(%run_scoped3A : memref<!tpu.dma_semaphore, #tpu.memory_space<semaphore_mem>>) {add = true}
        %dma_wait3A_35 = arith.constant 0 : i32
        %dma_wait3A_36 = tpu.memref_slice %arg8[%scan3A_18, %dma_wait3A_35] : memref<79x128xi32, #tpu.memory_space<vmem>> -> memref<1x128xi32, #tpu.memory_space<vmem>>
        %dma_wait3A_37 = tpu.memref_squeeze %dma_wait3A_36 : memref<1x128xi32, #tpu.memory_space<vmem>> -> memref<128xi32, #tpu.memory_space<vmem>>
        %dma_wait3A_38 = arith.constant 0 : i32
        %dma_wait3A_39 = arith.constant 0 : i32
        %dma_wait3A_40 = tpu.memref_slice %arg10[%dma_wait3A_38, %dma_wait3A_39] : memref<10112x128xf32, #tpu.memory_space<vmem_shared>> -> memref<10112x128xf32, #tpu.memory_space<vmem_shared>>
        tpu.wait_indirect_dma semaphore(%run_scoped3A : memref<!tpu.dma_semaphore, #tpu.memory_space<semaphore_mem>>) src(%arg9 : memref<128x128xf32, #tpu.memory_space<vmem>>) dst(%dma_wait3A_40 : memref<10112x128xf32, #tpu.memory_space<vmem_shared>>)
        tpu.yield
      }) : () -> ()
    }
    %scan3A_7 = arith.constant 79 : i32
    %barrier3A_8 = arith.constant 0 : index
    tpu.barrier barrier_id(%barrier3A_8)
    %mul3A_9 = arith.constant 624 : i32
    %mul3A_10 = arith.muli %arg1, %mul3A_9 : i32
    %mul3A_11 = arith.constant 10000 : i32
    %mul3A_12 = arith.muli %arg0, %mul3A_11 : i32
    %mul3A_13 = arith.constant 624 : i32
    %mul3A_14 = arith.muli %arg1, %mul3A_13 : i32
    %add3A_15 = arith.addi %mul3A_12, %mul3A_14 : i32
    "tpu.region"() ({
      %run_scoped3A = tpu.sem_alloc : memref<!tpu.dma_semaphore, #tpu.memory_space<semaphore_mem>>
      %dma_start3A = arith.constant 0 : i32
      %dma_start3A_18 = tpu.memref_slice %arg6[%add3A_15, %dma_start3A] : memref<20000x128xf32, #tpu.memory_space<hbm>> -> memref<624x128xf32, #tpu.memory_space<hbm>>
      %dma_start3A_19 = arith.constant 0 : i32
      %dma_start3A_20 = tpu.memref_slice %arg10[%mul3A_10, %dma_start3A_19] : memref<10112x128xf32, #tpu.memory_space<vmem_shared>> -> memref<624x128xf32, #tpu.memory_space<vmem_shared>>
      tpu.enqueue_dma source(%dma_start3A_20 : memref<624x128xf32, #tpu.memory_space<vmem_shared>>) target(%dma_start3A_18 : memref<624x128xf32, #tpu.memory_space<hbm>>) target_semaphore(%run_scoped3A : memref<!tpu.dma_semaphore, #tpu.memory_space<semaphore_mem>>)
      %dma_wait3A = arith.constant 0 : i32
      %dma_wait3A_21 = tpu.memref_slice %arg6[%add3A_15, %dma_wait3A] : memref<20000x128xf32, #tpu.memory_space<hbm>> -> memref<624x128xf32, #tpu.memory_space<hbm>>
      %dma_wait3A_22 = arith.constant 0 : i32
      %dma_wait3A_23 = tpu.memref_slice %arg10[%mul3A_10, %dma_wait3A_22] : memref<10112x128xf32, #tpu.memory_space<vmem_shared>> -> memref<624x128xf32, #tpu.memory_space<vmem_shared>>
      tpu.wait_dma2 semaphore(%run_scoped3A : memref<!tpu.dma_semaphore, #tpu.memory_space<semaphore_mem>>) src(%dma_wait3A_23 : memref<624x128xf32, #tpu.memory_space<vmem_shared>>) dst(%dma_wait3A_21 : memref<624x128xf32, #tpu.memory_space<hbm>>)
      tpu.yield
    }) : () -> ()
    %eq3A = arith.constant 15 : i32
    %eq3A_16 = arith.cmpi eq, %arg1, %eq3A : i32
    %convert_element_type3A = arith.extui %eq3A_16 : i1 to i32
    %cond3A = arith.constant 0 : i32
    %cond3A_17 = arith.cmpi ne, %convert_element_type3A, %cond3A : i32
    scf.if %cond3A_17 {
      %mul3A_18 = arith.constant 10000 : i32
      %mul3A_19 = arith.muli %arg0, %mul3A_18 : i32
      %add3A_20 = arith.constant 9984 : i32
      %add3A_21 = arith.addi %mul3A_19, %add3A_20 : i32
      "tpu.region"() ({
        %run_scoped3A = tpu.sem_alloc : memref<!tpu.dma_semaphore, #tpu.memory_space<semaphore_mem>>
        %dma_start3A = arith.constant 0 : i32
        %dma_start3A_22 = tpu.memref_slice %arg6[%add3A_21, %dma_start3A] : memref<20000x128xf32, #tpu.memory_space<hbm>> -> memref<16x128xf32, #tpu.memory_space<hbm>>
        %dma_start3A_23 = arith.constant 9984 : i32
        %dma_start3A_24 = arith.constant 0 : i32
        %dma_start3A_25 = tpu.memref_slice %arg10[%dma_start3A_23, %dma_start3A_24] : memref<10112x128xf32, #tpu.memory_space<vmem_shared>> -> memref<16x128xf32, #tpu.memory_space<vmem_shared>>
        tpu.enqueue_dma source(%dma_start3A_25 : memref<16x128xf32, #tpu.memory_space<vmem_shared>>) target(%dma_start3A_22 : memref<16x128xf32, #tpu.memory_space<hbm>>) target_semaphore(%run_scoped3A : memref<!tpu.dma_semaphore, #tpu.memory_space<semaphore_mem>>)
        %dma_wait3A = arith.constant 0 : i32
        %dma_wait3A_26 = tpu.memref_slice %arg6[%add3A_21, %dma_wait3A] : memref<20000x128xf32, #tpu.memory_space<hbm>> -> memref<16x128xf32, #tpu.memory_space<hbm>>
        %dma_wait3A_27 = arith.constant 9984 : i32
        %dma_wait3A_28 = arith.constant 0 : i32
        %dma_wait3A_29 = tpu.memref_slice %arg10[%dma_wait3A_27, %dma_wait3A_28] : memref<10112x128xf32, #tpu.memory_space<vmem_shared>> -> memref<16x128xf32, #tpu.memory_space<vmem_shared>>
        tpu.wait_dma2 semaphore(%run_scoped3A : memref<!tpu.dma_semaphore, #tpu.memory_space<semaphore_mem>>) src(%dma_wait3A_29 : memref<16x128xf32, #tpu.memory_space<vmem_shared>>) dst(%dma_wait3A_26 : memref<16x128xf32, #tpu.memory_space<hbm>>)
        tpu.yield
      }) : () -> ()
    } else {
    }
    return
  }
}

#map = affine_map<(d0, d1) -> (0, 0)>
#map1 = affine_map<(d0, d1) -> (0, 0, 0)>
module attributes {stable_mosaic.version = 14 : i64} {
  func.func @k(%arg0: i32, %arg1: i32, %arg2: memref<10000x128xf32, #tpu.memory_space<hbm>>, %arg3: memref<32x79x128xi32, #tpu.memory_space<hbm>>, %arg4: memref<32x79x128xi32, #tpu.memory_space<hbm>>, %arg5: memref<632x128xf32, #tpu.memory_space<hbm>>, %arg6: memref<20000x128xf32, #tpu.memory_space<hbm>>, %arg7: memref<79x128xi32, #tpu.memory_space<vmem>>, %arg8: memref<79x128xi32, #tpu.memory_space<vmem>>, %arg9: memref<128x128xf32, #tpu.memory_space<vmem>>, %arg10: memref<10112x128xf32, #tpu.memory_space<vmem_shared>>, %arg11: memref<!tpu.dma_semaphore, #tpu.memory_space<semaphore_mem>>) attributes {dimension_semantics = [#tpu.dimension_semantics<core_parallel>, #tpu.dimension_semantics<subcore_parallel>], iteration_bounds = array<i64: 2, 16>, scalar_prefetch = 0 : i64, scratch_operands = 5 : i64, tpu.core_type = #tpu.core_type<sc_vector_subcore>, window_params = [{transform_indices = #map}, {transform_indices = #map1}, {transform_indices = #map1}, {transform_indices = #map}, {transform_indices = #map}]} {
    %mul3A = arith.constant 2 : i32
    %mul3A_0 = arith.muli %arg1, %mul3A : i32
    %add3A = arith.addi %mul3A_0, %arg0 : i32
    %mul3A_1 = arith.constant 632 : i32
    %mul3A_2 = arith.muli %arg1, %mul3A_1 : i32
    "tpu.region"() ({
      %run_scoped3A = tpu.sem_alloc : memref<!tpu.dma_semaphore, #tpu.memory_space<semaphore_mem>>
      %dma_start3A = arith.constant 0 : i32
      %dma_start3A_18 = tpu.memref_slice %arg10[%mul3A_2, %dma_start3A] : memref<10112x128xf32, #tpu.memory_space<vmem_shared>> -> memref<632x128xf32, #tpu.memory_space<vmem_shared>>
      tpu.enqueue_dma source(%arg5 : memref<632x128xf32, #tpu.memory_space<hbm>>) target(%dma_start3A_18 : memref<632x128xf32, #tpu.memory_space<vmem_shared>>) target_semaphore(%run_scoped3A : memref<!tpu.dma_semaphore, #tpu.memory_space<semaphore_mem>>)
      %dma_wait3A = arith.constant 0 : i32
      %dma_wait3A_19 = tpu.memref_slice %arg10[%mul3A_2, %dma_wait3A] : memref<10112x128xf32, #tpu.memory_space<vmem_shared>> -> memref<632x128xf32, #tpu.memory_space<vmem_shared>>
      tpu.wait_dma2 semaphore(%run_scoped3A : memref<!tpu.dma_semaphore, #tpu.memory_space<semaphore_mem>>) src(%arg5 : memref<632x128xf32, #tpu.memory_space<hbm>>) dst(%dma_wait3A_19 : memref<632x128xf32, #tpu.memory_space<vmem_shared>>)
      tpu.yield
    }) : () -> ()
    "tpu.region"() ({
      %run_scoped3A = tpu.sem_alloc : memref<!tpu.dma_semaphore, #tpu.memory_space<semaphore_mem>>
      %dma_start3A = arith.constant 0 : i32
      %dma_start3A_18 = arith.constant 0 : i32
      %dma_start3A_19 = tpu.memref_slice %arg3[%add3A, %dma_start3A, %dma_start3A_18] : memref<32x79x128xi32, #tpu.memory_space<hbm>> -> memref<1x79x128xi32, #tpu.memory_space<hbm>>
      %dma_start3A_20 = tpu.memref_squeeze %dma_start3A_19 : memref<1x79x128xi32, #tpu.memory_space<hbm>> -> memref<79x128xi32, #tpu.memory_space<hbm>>
      %dma_start3A_21 = arith.constant 0 : i32
      %dma_start3A_22 = arith.constant 0 : i32
      %dma_start3A_23 = tpu.memref_slice %arg3[%add3A, %dma_start3A_21, %dma_start3A_22] : memref<32x79x128xi32, #tpu.memory_space<hbm>> -> memref<1x79x128xi32, #tpu.memory_space<hbm>>
      %dma_start3A_24 = tpu.memref_squeeze %dma_start3A_23 : memref<1x79x128xi32, #tpu.memory_space<hbm>> -> memref<79x128xi32, #tpu.memory_space<hbm>>
      tpu.enqueue_dma source(%dma_start3A_24 : memref<79x128xi32, #tpu.memory_space<hbm>>) target(%arg7 : memref<79x128xi32, #tpu.memory_space<vmem>>) target_semaphore(%run_scoped3A : memref<!tpu.dma_semaphore, #tpu.memory_space<semaphore_mem>>)
      %dma_wait3A = arith.constant 0 : i32
      %dma_wait3A_25 = arith.constant 0 : i32
      %dma_wait3A_26 = tpu.memref_slice %arg3[%add3A, %dma_wait3A, %dma_wait3A_25] : memref<32x79x128xi32, #tpu.memory_space<hbm>> -> memref<1x79x128xi32, #tpu.memory_space<hbm>>
      %dma_wait3A_27 = tpu.memref_squeeze %dma_wait3A_26 : memref<1x79x128xi32, #tpu.memory_space<hbm>> -> memref<79x128xi32, #tpu.memory_space<hbm>>
      %dma_wait3A_28 = arith.constant 0 : i32
      %dma_wait3A_29 = arith.constant 0 : i32
      %dma_wait3A_30 = tpu.memref_slice %arg3[%add3A, %dma_wait3A_28, %dma_wait3A_29] : memref<32x79x128xi32, #tpu.memory_space<hbm>> -> memref<1x79x128xi32, #tpu.memory_space<hbm>>
      %dma_wait3A_31 = tpu.memref_squeeze %dma_wait3A_30 : memref<1x79x128xi32, #tpu.memory_space<hbm>> -> memref<79x128xi32, #tpu.memory_space<hbm>>
      tpu.wait_dma2 semaphore(%run_scoped3A : memref<!tpu.dma_semaphore, #tpu.memory_space<semaphore_mem>>) src(%dma_wait3A_31 : memref<79x128xi32, #tpu.memory_space<hbm>>) dst(%arg7 : memref<79x128xi32, #tpu.memory_space<vmem>>)
      tpu.yield
    }) : () -> ()
    "tpu.region"() ({
      %run_scoped3A = tpu.sem_alloc : memref<!tpu.dma_semaphore, #tpu.memory_space<semaphore_mem>>
      %dma_start3A = arith.constant 0 : i32
      %dma_start3A_18 = arith.constant 0 : i32
      %dma_start3A_19 = tpu.memref_slice %arg4[%add3A, %dma_start3A, %dma_start3A_18] : memref<32x79x128xi32, #tpu.memory_space<hbm>> -> memref<1x79x128xi32, #tpu.memory_space<hbm>>
      %dma_start3A_20 = tpu.memref_squeeze %dma_start3A_19 : memref<1x79x128xi32, #tpu.memory_space<hbm>> -> memref<79x128xi32, #tpu.memory_space<hbm>>
      %dma_start3A_21 = arith.constant 0 : i32
      %dma_start3A_22 = arith.constant 0 : i32
      %dma_start3A_23 = tpu.memref_slice %arg4[%add3A, %dma_start3A_21, %dma_start3A_22] : memref<32x79x128xi32, #tpu.memory_space<hbm>> -> memref<1x79x128xi32, #tpu.memory_space<hbm>>
      %dma_start3A_24 = tpu.memref_squeeze %dma_start3A_23 : memref<1x79x128xi32, #tpu.memory_space<hbm>> -> memref<79x128xi32, #tpu.memory_space<hbm>>
      tpu.enqueue_dma source(%dma_start3A_24 : memref<79x128xi32, #tpu.memory_space<hbm>>) target(%arg8 : memref<79x128xi32, #tpu.memory_space<vmem>>) target_semaphore(%run_scoped3A : memref<!tpu.dma_semaphore, #tpu.memory_space<semaphore_mem>>)
      %dma_wait3A = arith.constant 0 : i32
      %dma_wait3A_25 = arith.constant 0 : i32
      %dma_wait3A_26 = tpu.memref_slice %arg4[%add3A, %dma_wait3A, %dma_wait3A_25] : memref<32x79x128xi32, #tpu.memory_space<hbm>> -> memref<1x79x128xi32, #tpu.memory_space<hbm>>
      %dma_wait3A_27 = tpu.memref_squeeze %dma_wait3A_26 : memref<1x79x128xi32, #tpu.memory_space<hbm>> -> memref<79x128xi32, #tpu.memory_space<hbm>>
      %dma_wait3A_28 = arith.constant 0 : i32
      %dma_wait3A_29 = arith.constant 0 : i32
      %dma_wait3A_30 = tpu.memref_slice %arg4[%add3A, %dma_wait3A_28, %dma_wait3A_29] : memref<32x79x128xi32, #tpu.memory_space<hbm>> -> memref<1x79x128xi32, #tpu.memory_space<hbm>>
      %dma_wait3A_31 = tpu.memref_squeeze %dma_wait3A_30 : memref<1x79x128xi32, #tpu.memory_space<hbm>> -> memref<79x128xi32, #tpu.memory_space<hbm>>
      tpu.wait_dma2 semaphore(%run_scoped3A : memref<!tpu.dma_semaphore, #tpu.memory_space<semaphore_mem>>) src(%dma_wait3A_31 : memref<79x128xi32, #tpu.memory_space<hbm>>) dst(%arg8 : memref<79x128xi32, #tpu.memory_space<vmem>>)
      tpu.yield
    }) : () -> ()
    %barrier3A = arith.constant 0 : index
    tpu.barrier barrier_id(%barrier3A)
    %scan3A = arith.constant 0 : i32
    %scan3A_3 = arith.constant 0 : i32
    %scan3A_4 = arith.constant 79 : i32
    %scan3A_5 = arith.addi %scan3A_3, %scan3A_4 : i32
    %scan3A_6 = arith.constant 1 : i32
    scf.for %scan3A_18 = %scan3A_3 to %scan3A_5 step %scan3A_6  : i32 {
      %dma_start3A = arith.constant 0 : i32
      %dma_start3A_19 = tpu.memref_slice %arg7[%scan3A_18, %dma_start3A] : memref<79x128xi32, #tpu.memory_space<vmem>> -> memref<1x128xi32, #tpu.memory_space<vmem>>
      %dma_start3A_20 = tpu.memref_squeeze %dma_start3A_19 : memref<1x128xi32, #tpu.memory_space<vmem>> -> memref<128xi32, #tpu.memory_space<vmem>>
      %dma_start3A_21 = arith.constant 0 : i32
      %dma_start3A_22 = arith.constant 0 : i32
      %dma_start3A_23 = tpu.memref_slice %arg2[%dma_start3A_21, %dma_start3A_22] : memref<10000x128xf32, #tpu.memory_space<hbm>> -> memref<10000x128xf32, #tpu.memory_space<hbm>>
      tpu.enqueue_indirect_dma source(%dma_start3A_23 : memref<10000x128xf32, #tpu.memory_space<hbm>>) target(%arg9 : memref<128x128xf32, #tpu.memory_space<vmem>>) offsets(%dma_start3A_20 : memref<128xi32, #tpu.memory_space<vmem>>) semaphore(%arg11 : memref<!tpu.dma_semaphore, #tpu.memory_space<semaphore_mem>>)
      %dma_wait3A = arith.constant 0 : i32
      %dma_wait3A_24 = tpu.memref_slice %arg7[%scan3A_18, %dma_wait3A] : memref<79x128xi32, #tpu.memory_space<vmem>> -> memref<1x128xi32, #tpu.memory_space<vmem>>
      %dma_wait3A_25 = tpu.memref_squeeze %dma_wait3A_24 : memref<1x128xi32, #tpu.memory_space<vmem>> -> memref<128xi32, #tpu.memory_space<vmem>>
      %dma_wait3A_26 = arith.constant 0 : i32
      %dma_wait3A_27 = arith.constant 0 : i32
      %dma_wait3A_28 = tpu.memref_slice %arg2[%dma_wait3A_26, %dma_wait3A_27] : memref<10000x128xf32, #tpu.memory_space<hbm>> -> memref<10000x128xf32, #tpu.memory_space<hbm>>
      tpu.wait_indirect_dma semaphore(%arg11 : memref<!tpu.dma_semaphore, #tpu.memory_space<semaphore_mem>>) src(%dma_wait3A_28 : memref<10000x128xf32, #tpu.memory_space<hbm>>) dst(%arg9 : memref<128x128xf32, #tpu.memory_space<vmem>>)
      "tpu.region"() ({
        %run_scoped3A = tpu.sem_alloc : memref<!tpu.dma_semaphore, #tpu.memory_space<semaphore_mem>>
        %dma_start3A_29 = arith.constant 0 : i32
        %dma_start3A_30 = tpu.memref_slice %arg8[%scan3A_18, %dma_start3A_29] : memref<79x128xi32, #tpu.memory_space<vmem>> -> memref<1x128xi32, #tpu.memory_space<vmem>>
        %dma_start3A_31 = tpu.memref_squeeze %dma_start3A_30 : memref<1x128xi32, #tpu.memory_space<vmem>> -> memref<128xi32, #tpu.memory_space<vmem>>
        %dma_start3A_32 = arith.constant 0 : i32
        %dma_start3A_33 = arith.constant 0 : i32
        %dma_start3A_34 = tpu.memref_slice %arg10[%dma_start3A_32, %dma_start3A_33] : memref<10112x128xf32, #tpu.memory_space<vmem_shared>> -> memref<10112x128xf32, #tpu.memory_space<vmem_shared>>
        tpu.enqueue_indirect_dma source(%arg9 : memref<128x128xf32, #tpu.memory_space<vmem>>) target(%dma_start3A_34 : memref<10112x128xf32, #tpu.memory_space<vmem_shared>>) offsets(%dma_start3A_31 : memref<128xi32, #tpu.memory_space<vmem>>) semaphore(%run_scoped3A : memref<!tpu.dma_semaphore, #tpu.memory_space<semaphore_mem>>) {add = true}
        %dma_wait3A_35 = arith.constant 0 : i32
        %dma_wait3A_36 = tpu.memref_slice %arg8[%scan3A_18, %dma_wait3A_35] : memref<79x128xi32, #tpu.memory_space<vmem>> -> memref<1x128xi32, #tpu.memory_space<vmem>>
        %dma_wait3A_37 = tpu.memref_squeeze %dma_wait3A_36 : memref<1x128xi32, #tpu.memory_space<vmem>> -> memref<128xi32, #tpu.memory_space<vmem>>
        %dma_wait3A_38 = arith.constant 0 : i32
        %dma_wait3A_39 = arith.constant 0 : i32
        %dma_wait3A_40 = tpu.memref_slice %arg10[%dma_wait3A_38, %dma_wait3A_39] : memref<10112x128xf32, #tpu.memory_space<vmem_shared>> -> memref<10112x128xf32, #tpu.memory_space<vmem_shared>>
        tpu.wait_indirect_dma semaphore(%run_scoped3A : memref<!tpu.dma_semaphore, #tpu.memory_space<semaphore_mem>>) src(%arg9 : memref<128x128xf32, #tpu.memory_space<vmem>>) dst(%dma_wait3A_40 : memref<10112x128xf32, #tpu.memory_space<vmem_shared>>)
        tpu.yield
      }) : () -> ()
    }
    %scan3A_7 = arith.constant 79 : i32
    %barrier3A_8 = arith.constant 0 : index
    tpu.barrier barrier_id(%barrier3A_8)
    %mul3A_9 = arith.constant 624 : i32
    %mul3A_10 = arith.muli %arg1, %mul3A_9 : i32
    %mul3A_11 = arith.constant 10000 : i32
    %mul3A_12 = arith.muli %arg0, %mul3A_11 : i32
    %mul3A_13 = arith.constant 624 : i32
    %mul3A_14 = arith.muli %arg1, %mul3A_13 : i32
    %add3A_15 = arith.addi %mul3A_12, %mul3A_14 : i32
    "tpu.region"() ({
      %run_scoped3A = tpu.sem_alloc : memref<!tpu.dma_semaphore, #tpu.memory_space<semaphore_mem>>
      %dma_start3A = arith.constant 0 : i32
      %dma_start3A_18 = tpu.memref_slice %arg6[%add3A_15, %dma_start3A] : memref<20000x128xf32, #tpu.memory_space<hbm>> -> memref<624x128xf32, #tpu.memory_space<hbm>>
      %dma_start3A_19 = arith.constant 0 : i32
      %dma_start3A_20 = tpu.memref_slice %arg10[%mul3A_10, %dma_start3A_19] : memref<10112x128xf32, #tpu.memory_space<vmem_shared>> -> memref<624x128xf32, #tpu.memory_space<vmem_shared>>
      tpu.enqueue_dma source(%dma_start3A_20 : memref<624x128xf32, #tpu.memory_space<vmem_shared>>) target(%dma_start3A_18 : memref<624x128xf32, #tpu.memory_space<hbm>>) target_semaphore(%run_scoped3A : memref<!tpu.dma_semaphore, #tpu.memory_space<semaphore_mem>>)
      %dma_wait3A = arith.constant 0 : i32
      %dma_wait3A_21 = tpu.memref_slice %arg6[%add3A_15, %dma_wait3A] : memref<20000x128xf32, #tpu.memory_space<hbm>> -> memref<624x128xf32, #tpu.memory_space<hbm>>
      %dma_wait3A_22 = arith.constant 0 : i32
      %dma_wait3A_23 = tpu.memref_slice %arg10[%mul3A_10, %dma_wait3A_22] : memref<10112x128xf32, #tpu.memory_space<vmem_shared>> -> memref<624x128xf32, #tpu.memory_space<vmem_shared>>
      tpu.wait_dma2 semaphore(%run_scoped3A : memref<!tpu.dma_semaphore, #tpu.memory_space<semaphore_mem>>) src(%dma_wait3A_23 : memref<624x128xf32, #tpu.memory_space<vmem_shared>>) dst(%dma_wait3A_21 : memref<624x128xf32, #tpu.memory_space<hbm>>)
      tpu.yield
    }) : () -> ()
    %eq3A = arith.constant 15 : i32
    %eq3A_16 = arith.cmpi eq, %arg1, %eq3A : i32
    %convert_element_type3A = arith.extui %eq3A_16 : i1 to i32
    %cond3A = arith.constant 0 : i32
    %cond3A_17 = arith.cmpi ne, %convert_element_type3A, %cond3A : i32
    scf.if %cond3A_17 {
      %mul3A_18 = arith.constant 10000 : i32
      %mul3A_19 = arith.muli %arg0, %mul3A_18 : i32
      %add3A_20 = arith.constant 9984 : i32
      %add3A_21 = arith.addi %mul3A_19, %add3A_20 : i32
      "tpu.region"() ({
        %run_scoped3A = tpu.sem_alloc : memref<!tpu.dma_semaphore, #tpu.memory_space<semaphore_mem>>
        %dma_start3A = arith.constant 0 : i32
        %dma_start3A_22 = tpu.memref_slice %arg6[%add3A_21, %dma_start3A] : memref<20000x128xf32, #tpu.memory_space<hbm>> -> memref<16x128xf32, #tpu.memory_space<hbm>>
        %dma_start3A_23 = arith.constant 9984 : i32
        %dma_start3A_24 = arith.constant 0 : i32
        %dma_start3A_25 = tpu.memref_slice %arg10[%dma_start3A_23, %dma_start3A_24] : memref<10112x128xf32, #tpu.memory_space<vmem_shared>> -> memref<16x128xf32, #tpu.memory_space<vmem_shared>>
        tpu.enqueue_dma source(%dma_start3A_25 : memref<16x128xf32, #tpu.memory_space<vmem_shared>>) target(%dma_start3A_22 : memref<16x128xf32, #tpu.memory_space<hbm>>) target_semaphore(%run_scoped3A : memref<!tpu.dma_semaphore, #tpu.memory_space<semaphore_mem>>)
        %dma_wait3A = arith.constant 0 : i32
        %dma_wait3A_26 = tpu.memref_slice %arg6[%add3A_21, %dma_wait3A] : memref<20000x128xf32, #tpu.memory_space<hbm>> -> memref<16x128xf32, #tpu.memory_space<hbm>>
        %dma_wait3A_27 = arith.constant 9984 : i32
        %dma_wait3A_28 = arith.constant 0 : i32
        %dma_wait3A_29 = tpu.memref_slice %arg10[%dma_wait3A_27, %dma_wait3A_28] : memref<10112x128xf32, #tpu.memory_space<vmem_shared>> -> memref<16x128xf32, #tpu.memory_space<vmem_shared>>
        tpu.wait_dma2 semaphore(%run_scoped3A : memref<!tpu.dma_semaphore, #tpu.memory_space<semaphore_mem>>) src(%dma_wait3A_29 : memref<16x128xf32, #tpu.memory_space<vmem_shared>>) dst(%dma_wait3A_26 : memref<16x128xf32, #tpu.memory_space<hbm>>)
        tpu.yield
      }) : () -> ()
    } else {
    }
    return
  }
}

#map = affine_map<(d0, d1) -> (0, 0)>
#map1 = affine_map<(d0, d1) -> (0, 0, 0)>
module attributes {stable_mosaic.version = 14 : i64} {
  func.func @k(%arg0: i32, %arg1: i32, %arg2: memref<10000x128xf32, #tpu.memory_space<hbm>>, %arg3: memref<32x2x80xi32, #tpu.memory_space<hbm>>, %arg4: memref<5120x128xf32, #tpu.memory_space<hbm>>, %arg5: memref<2x80xi32, #tpu.memory_space<vmem>>, %arg6: memref<80x128xf32, #tpu.memory_space<vmem>>, %arg7: memref<!tpu.dma_semaphore, #tpu.memory_space<semaphore_mem>>) attributes {dimension_semantics = [#tpu.dimension_semantics<core_parallel>, #tpu.dimension_semantics<subcore_parallel>], iteration_bounds = array<i64: 2, 16>, scalar_prefetch = 0 : i64, scratch_operands = 3 : i64, tpu.core_type = #tpu.core_type<sc_vector_subcore>, window_params = [{transform_indices = #map}, {transform_indices = #map1}, {transform_indices = #map}]} {
    %mul3A = arith.constant 2 : i32
    %mul3A_0 = arith.muli %arg1, %mul3A : i32
    %add3A = arith.addi %mul3A_0, %arg0 : i32
    "tpu.region"() ({
      %run_scoped3A = tpu.sem_alloc : memref<!tpu.dma_semaphore, #tpu.memory_space<semaphore_mem>>
      %dma_start3A = arith.constant 0 : i32
      %dma_start3A_6 = arith.constant 0 : i32
      %dma_start3A_7 = tpu.memref_slice %arg3[%add3A, %dma_start3A, %dma_start3A_6] : memref<32x2x80xi32, #tpu.memory_space<hbm>> -> memref<1x2x80xi32, #tpu.memory_space<hbm>>
      %dma_start3A_8 = tpu.memref_squeeze %dma_start3A_7 : memref<1x2x80xi32, #tpu.memory_space<hbm>> -> memref<2x80xi32, #tpu.memory_space<hbm>>
      %dma_start3A_9 = arith.constant 0 : i32
      %dma_start3A_10 = arith.constant 0 : i32
      %dma_start3A_11 = tpu.memref_slice %arg3[%add3A, %dma_start3A_9, %dma_start3A_10] : memref<32x2x80xi32, #tpu.memory_space<hbm>> -> memref<1x2x80xi32, #tpu.memory_space<hbm>>
      %dma_start3A_12 = tpu.memref_squeeze %dma_start3A_11 : memref<1x2x80xi32, #tpu.memory_space<hbm>> -> memref<2x80xi32, #tpu.memory_space<hbm>>
      tpu.enqueue_dma source(%dma_start3A_12 : memref<2x80xi32, #tpu.memory_space<hbm>>) target(%arg5 : memref<2x80xi32, #tpu.memory_space<vmem>>) target_semaphore(%run_scoped3A : memref<!tpu.dma_semaphore, #tpu.memory_space<semaphore_mem>>)
      %dma_wait3A = arith.constant 0 : i32
      %dma_wait3A_13 = arith.constant 0 : i32
      %dma_wait3A_14 = tpu.memref_slice %arg3[%add3A, %dma_wait3A, %dma_wait3A_13] : memref<32x2x80xi32, #tpu.memory_space<hbm>> -> memref<1x2x80xi32, #tpu.memory_space<hbm>>
      %dma_wait3A_15 = tpu.memref_squeeze %dma_wait3A_14 : memref<1x2x80xi32, #tpu.memory_space<hbm>> -> memref<2x80xi32, #tpu.memory_space<hbm>>
      %dma_wait3A_16 = arith.constant 0 : i32
      %dma_wait3A_17 = arith.constant 0 : i32
      %dma_wait3A_18 = tpu.memref_slice %arg3[%add3A, %dma_wait3A_16, %dma_wait3A_17] : memref<32x2x80xi32, #tpu.memory_space<hbm>> -> memref<1x2x80xi32, #tpu.memory_space<hbm>>
      %dma_wait3A_19 = tpu.memref_squeeze %dma_wait3A_18 : memref<1x2x80xi32, #tpu.memory_space<hbm>> -> memref<2x80xi32, #tpu.memory_space<hbm>>
      tpu.wait_dma2 semaphore(%run_scoped3A : memref<!tpu.dma_semaphore, #tpu.memory_space<semaphore_mem>>) src(%dma_wait3A_19 : memref<2x80xi32, #tpu.memory_space<hbm>>) dst(%arg5 : memref<2x80xi32, #tpu.memory_space<vmem>>)
      tpu.yield
    }) : () -> ()
    %scan3A = arith.constant 0 : i32
    %scan3A_1 = arith.constant 0 : i32
    %scan3A_2 = arith.constant 2 : i32
    %scan3A_3 = arith.addi %scan3A_1, %scan3A_2 : i32
    %scan3A_4 = arith.constant 1 : i32
    scf.for %scan3A_6 = %scan3A_1 to %scan3A_3 step %scan3A_4  : i32 {
      %dma_start3A = arith.constant 0 : i32
      %dma_start3A_7 = tpu.memref_slice %arg5[%scan3A_6, %dma_start3A] : memref<2x80xi32, #tpu.memory_space<vmem>> -> memref<1x80xi32, #tpu.memory_space<vmem>>
      %dma_start3A_8 = tpu.memref_squeeze %dma_start3A_7 : memref<1x80xi32, #tpu.memory_space<vmem>> -> memref<80xi32, #tpu.memory_space<vmem>>
      %dma_start3A_9 = arith.constant 0 : i32
      %dma_start3A_10 = arith.constant 0 : i32
      %dma_start3A_11 = tpu.memref_slice %arg2[%dma_start3A_9, %dma_start3A_10] : memref<10000x128xf32, #tpu.memory_space<hbm>> -> memref<10000x128xf32, #tpu.memory_space<hbm>>
      tpu.enqueue_indirect_dma source(%dma_start3A_11 : memref<10000x128xf32, #tpu.memory_space<hbm>>) target(%arg6 : memref<80x128xf32, #tpu.memory_space<vmem>>) offsets(%dma_start3A_8 : memref<80xi32, #tpu.memory_space<vmem>>) semaphore(%arg7 : memref<!tpu.dma_semaphore, #tpu.memory_space<semaphore_mem>>)
      %dma_wait3A = arith.constant 0 : i32
      %dma_wait3A_12 = tpu.memref_slice %arg5[%scan3A_6, %dma_wait3A] : memref<2x80xi32, #tpu.memory_space<vmem>> -> memref<1x80xi32, #tpu.memory_space<vmem>>
      %dma_wait3A_13 = tpu.memref_squeeze %dma_wait3A_12 : memref<1x80xi32, #tpu.memory_space<vmem>> -> memref<80xi32, #tpu.memory_space<vmem>>
      %dma_wait3A_14 = arith.constant 0 : i32
      %dma_wait3A_15 = arith.constant 0 : i32
      %dma_wait3A_16 = tpu.memref_slice %arg2[%dma_wait3A_14, %dma_wait3A_15] : memref<10000x128xf32, #tpu.memory_space<hbm>> -> memref<10000x128xf32, #tpu.memory_space<hbm>>
      tpu.wait_indirect_dma semaphore(%arg7 : memref<!tpu.dma_semaphore, #tpu.memory_space<semaphore_mem>>) src(%dma_wait3A_16 : memref<10000x128xf32, #tpu.memory_space<hbm>>) dst(%arg6 : memref<80x128xf32, #tpu.memory_space<vmem>>)
      %mul3A_17 = arith.constant 160 : i32
      %mul3A_18 = arith.muli %add3A, %mul3A_17 : i32
      %mul3A_19 = arith.constant 80 : i32
      %mul3A_20 = arith.muli %scan3A_6, %mul3A_19 : i32
      %add3A_21 = arith.addi %mul3A_18, %mul3A_20 : i32
      "tpu.region"() ({
        %run_scoped3A = tpu.sem_alloc : memref<!tpu.dma_semaphore, #tpu.memory_space<semaphore_mem>>
        %dma_start3A_22 = arith.constant 0 : i32
        %dma_start3A_23 = tpu.memref_slice %arg4[%add3A_21, %dma_start3A_22] : memref<5120x128xf32, #tpu.memory_space<hbm>> -> memref<80x128xf32, #tpu.memory_space<hbm>>
        %dma_start3A_24 = arith.constant 0 : i32
        %dma_start3A_25 = tpu.memref_slice %arg4[%add3A_21, %dma_start3A_24] : memref<5120x128xf32, #tpu.memory_space<hbm>> -> memref<80x128xf32, #tpu.memory_space<hbm>>
        tpu.enqueue_dma source(%arg6 : memref<80x128xf32, #tpu.memory_space<vmem>>) target(%dma_start3A_25 : memref<80x128xf32, #tpu.memory_space<hbm>>) target_semaphore(%run_scoped3A : memref<!tpu.dma_semaphore, #tpu.memory_space<semaphore_mem>>)
        %dma_wait3A_26 = arith.constant 0 : i32
        %dma_wait3A_27 = tpu.memref_slice %arg4[%add3A_21, %dma_wait3A_26] : memref<5120x128xf32, #tpu.memory_space<hbm>> -> memref<80x128xf32, #tpu.memory_space<hbm>>
        %dma_wait3A_28 = arith.constant 0 : i32
        %dma_wait3A_29 = tpu.memref_slice %arg4[%add3A_21, %dma_wait3A_28] : memref<5120x128xf32, #tpu.memory_space<hbm>> -> memref<80x128xf32, #tpu.memory_space<hbm>>
        tpu.wait_dma2 semaphore(%run_scoped3A : memref<!tpu.dma_semaphore, #tpu.memory_space<semaphore_mem>>) src(%arg6 : memref<80x128xf32, #tpu.memory_space<vmem>>) dst(%dma_wait3A_29 : memref<80x128xf32, #tpu.memory_space<hbm>>)
        tpu.yield
      }) : () -> ()
    }
    %scan3A_5 = arith.constant 2 : i32
    return
  }
}

module attributes {stable_mosaic.version = 14 : i64} {
  func.func @_linear_body(%arg0: i32, %arg1: memref<1000x128xf32, #tpu.memory_space<vmem>>, %arg2: memref<128x128xf32, #tpu.memory_space<vmem>>, %arg3: memref<1x128xf32, #tpu.memory_space<vmem>>, %arg4: memref<1000x128xf32, #tpu.memory_space<vmem>>) attributes {dimension_semantics = [#tpu.dimension_semantics<arbitrary>], iteration_bounds = array<i64: 10>, scalar_prefetch = 0 : i64, scratch_operands = 0 : i64, tpu.core_type = #tpu.core_type<tc>, window_params = [{transform_indices = @transform_0, window_bounds = array<i64: 1000, 128>}, {pipeline_mode = #tpu.pipeline_mode<synchronous>, transform_indices = @transform_1, window_bounds = array<i64: 128, 128>}, {pipeline_mode = #tpu.pipeline_mode<synchronous>, transform_indices = @transform_2, window_bounds = array<i64: 1, 128>}, {transform_indices = @transform_3, window_bounds = array<i64: 1000, 128>}]} {
    %get3A = arith.constant 0 : index
    %get3A_0 = arith.constant 0 : index
    %get3A_1 = vector.load %arg1[%get3A, %get3A_0] : memref<1000x128xf32, #tpu.memory_space<vmem>>, vector<1000x128xf32>
    %get3A_2 = arith.constant 0 : index
    %get3A_3 = arith.constant 0 : index
    %get3A_4 = vector.load %arg2[%get3A_2, %get3A_3] : memref<128x128xf32, #tpu.memory_space<vmem>>, vector<128x128xf32>
    %dot_general3A = arith.constant dense<0.000000e+00> : vector<1000x128xf32>
    %dot_general3A_5 = tpu.matmul %get3A_1, %get3A_4, %dot_general3A {dimension_numbers = #tpu.dot_dimension_numbers<[1], [0], [0], [1], [0, 0, 1, 1], [], []>, transpose_lhs_hint = false} : vector<1000x128xf32>, vector<128x128xf32>, vector<1000x128xf32> -> vector<1000x128xf32>
    %get3A_6 = arith.constant 0 : index
    %get3A_7 = arith.constant 0 : index
    %get3A_8 = vector.load %arg3[%get3A_6, %get3A_7] : memref<1x128xf32, #tpu.memory_space<vmem>>, vector<1x128xf32>
    %add3A = vector.broadcast %get3A_8 : vector<1x128xf32> to vector<1000x128xf32>
    %add3A_9 = arith.addf %dot_general3A_5, %add3A : vector<1000x128xf32>
    %swap3A = arith.constant 0 : index
    %swap3A_10 = arith.constant 0 : index
    %swap3A_11 = vector.load %arg4[%swap3A, %swap3A_10] : memref<1000x128xf32, #tpu.memory_space<vmem>>, vector<1000x128xf32>
    tpu.vector_store %arg4[%swap3A, %swap3A_10], %add3A_9 {strides = array<i32>} : memref<1000x128xf32, #tpu.memory_space<vmem>>, vector<1000x128xf32>,
    return
  }
  func.func @transform_0(%arg0: i32) -> (i32, i32) {
    %c0_i32 = arith.constant 0 : i32
    %c0_i32_0 = arith.constant 0 : i32
    return %arg0, %c0_i32 : i32, i32
  }
  func.func @transform_1(%arg0: i32) -> (i32, i32) {
    %c0_i32 = arith.constant 0 : i32
    %c0_i32_0 = arith.constant 0 : i32
    %c0_i32_1 = arith.constant 0 : i32
    return %c0_i32, %c0_i32_0 : i32, i32
  }
  func.func @transform_2(%arg0: i32) -> (i32, i32) {
    %c0_i32 = arith.constant 0 : i32
    %c0_i32_0 = arith.constant 0 : i32
    %c0_i32_1 = arith.constant 0 : i32
    return %c0_i32, %c0_i32_0 : i32, i32
  }
  func.func @transform_3(%arg0: i32) -> (i32, i32) {
    %c0_i32 = arith.constant 0 : i32
    %c0_i32_0 = arith.constant 0 : i32
    return %arg0, %c0_i32 : i32, i32
  }
}

module attributes {stable_mosaic.version = 14 : i64} {
  func.func @_combine_linear_body(%arg0: i32, %arg1: memref<1000x128xf32, #tpu.memory_space<vmem>>, %arg2: memref<1000x128xf32, #tpu.memory_space<vmem>>, %arg3: memref<1000x128xf32, #tpu.memory_space<vmem>>, %arg4: memref<128x128xf32, #tpu.memory_space<vmem>>, %arg5: memref<1x128xf32, #tpu.memory_space<vmem>>, %arg6: memref<1000x128xf32, #tpu.memory_space<vmem>>) attributes {dimension_semantics = [#tpu.dimension_semantics<arbitrary>], iteration_bounds = array<i64: 10>, scalar_prefetch = 0 : i64, scratch_operands = 0 : i64, tpu.core_type = #tpu.core_type<tc>, window_params = [{transform_indices = @transform_0, window_bounds = array<i64: 1000, 128>}, {transform_indices = @transform_1, window_bounds = array<i64: 1000, 128>}, {transform_indices = @transform_2, window_bounds = array<i64: 1000, 128>}, {pipeline_mode = #tpu.pipeline_mode<synchronous>, transform_indices = @transform_3, window_bounds = array<i64: 128, 128>}, {pipeline_mode = #tpu.pipeline_mode<synchronous>, transform_indices = @transform_4, window_bounds = array<i64: 1, 128>}, {transform_indices = @transform_5, window_bounds = array<i64: 1000, 128>}]} {
    %get3A = arith.constant 0 : index
    %get3A_0 = arith.constant 0 : index
    %get3A_1 = vector.load %arg1[%get3A, %get3A_0] : memref<1000x128xf32, #tpu.memory_space<vmem>>, vector<1000x128xf32>
    %get3A_2 = arith.constant 0 : index
    %get3A_3 = arith.constant 0 : index
    %get3A_4 = vector.load %arg2[%get3A_2, %get3A_3] : memref<1000x128xf32, #tpu.memory_space<vmem>>, vector<1000x128xf32>
    %add3A = arith.addf %get3A_1, %get3A_4 : vector<1000x128xf32>
    %get3A_5 = arith.constant 0 : index
    %get3A_6 = arith.constant 0 : index
    %get3A_7 = vector.load %arg3[%get3A_5, %get3A_6] : memref<1000x128xf32, #tpu.memory_space<vmem>>, vector<1000x128xf32>
    %add3A_8 = arith.addf %add3A, %get3A_7 : vector<1000x128xf32>
    %max3A = arith.constant 0.000000e+00 : f32
    %max3A_9 = vector.broadcast %max3A : f32 to vector<1000x128xf32>
    %max3A_10 = arith.maximumf %add3A_8, %max3A_9 : vector<1000x128xf32>
    %get3A_11 = arith.constant 0 : index
    %get3A_12 = arith.constant 0 : index
    %get3A_13 = vector.load %arg4[%get3A_11, %get3A_12] : memref<128x128xf32, #tpu.memory_space<vmem>>, vector<128x128xf32>
    %dot_general3A = arith.constant dense<0.000000e+00> : vector<1000x128xf32>
    %dot_general3A_14 = tpu.matmul %max3A_10, %get3A_13, %dot_general3A {dimension_numbers = #tpu.dot_dimension_numbers<[1], [0], [0], [1], [0, 0, 1, 1], [], []>, transpose_lhs_hint = false} : vector<1000x128xf32>, vector<128x128xf32>, vector<1000x128xf32> -> vector<1000x128xf32>
    %get3A_15 = arith.constant 0 : index
    %get3A_16 = arith.constant 0 : index
    %get3A_17 = vector.load %arg5[%get3A_15, %get3A_16] : memref<1x128xf32, #tpu.memory_space<vmem>>, vector<1x128xf32>
    %add3A_18 = vector.broadcast %get3A_17 : vector<1x128xf32> to vector<1000x128xf32>
    %add3A_19 = arith.addf %dot_general3A_14, %add3A_18 : vector<1000x128xf32>
    %swap3A = arith.constant 0 : index
    %swap3A_20 = arith.constant 0 : index
    %swap3A_21 = vector.load %arg6[%swap3A, %swap3A_20] : memref<1000x128xf32, #tpu.memory_space<vmem>>, vector<1000x128xf32>
    tpu.vector_store %arg6[%swap3A, %swap3A_20], %add3A_19 {strides = array<i32>} : memref<1000x128xf32, #tpu.memory_space<vmem>>, vector<1000x128xf32>,
    return
  }
  func.func @transform_0(%arg0: i32) -> (i32, i32) {
    %c0_i32 = arith.constant 0 : i32
    %c0_i32_0 = arith.constant 0 : i32
    return %arg0, %c0_i32 : i32, i32
  }
  func.func @transform_1(%arg0: i32) -> (i32, i32) {
    %add3A = arith.constant 10 : i32
    %add3A_0 = arith.addi %arg0, %add3A : i32
    %c0_i32 = arith.constant 0 : i32
    %c0_i32_1 = arith.constant 0 : i32
    return %add3A_0, %c0_i32 : i32, i32
  }
  func.func @transform_2(%arg0: i32) -> (i32, i32) {
    %c0_i32 = arith.constant 0 : i32
    %c0_i32_0 = arith.constant 0 : i32
    return %arg0, %c0_i32 : i32, i32
  }
  func.func @transform_3(%arg0: i32) -> (i32, i32) {
    %c0_i32 = arith.constant 0 : i32
    %c0_i32_0 = arith.constant 0 : i32
    %c0_i32_1 = arith.constant 0 : i32
    return %c0_i32, %c0_i32_0 : i32, i32
  }
  func.func @transform_4(%arg0: i32) -> (i32, i32) {
    %c0_i32 = arith.constant 0 : i32
    %c0_i32_0 = arith.constant 0 : i32
    %c0_i32_1 = arith.constant 0 : i32
    return %c0_i32, %c0_i32_0 : i32, i32
  }
  func.func @transform_5(%arg0: i32) -> (i32, i32) {
    %c0_i32 = arith.constant 0 : i32
    %c0_i32_0 = arith.constant 0 : i32
    return %arg0, %c0_i32 : i32, i32
  }
}

module attributes {stable_mosaic.version = 14 : i64} {
  func.func @_head_body(%arg0: i32, %arg1: memref<1000x128xf32, #tpu.memory_space<vmem>>, %arg2: memref<1000x128xf32, #tpu.memory_space<vmem>>, %arg3: memref<1000x128xf32, #tpu.memory_space<vmem>>, %arg4: memref<128x128xf32, #tpu.memory_space<vmem>>, %arg5: memref<1x128xf32, #tpu.memory_space<vmem>>, %arg6: memref<1000x128xf32, #tpu.memory_space<vmem>>, %arg7: memref<1000x128xf32, #tpu.memory_space<vmem>>, %arg8: memref<1000x1xi32, #tpu.memory_space<vmem>>) attributes {dimension_semantics = [#tpu.dimension_semantics<arbitrary>], iteration_bounds = array<i64: 10>, scalar_prefetch = 0 : i64, scratch_operands = 0 : i64, tpu.core_type = #tpu.core_type<tc>, window_params = [{transform_indices = @transform_0, window_bounds = array<i64: 1000, 128>}, {transform_indices = @transform_1, window_bounds = array<i64: 1000, 128>}, {transform_indices = @transform_2, window_bounds = array<i64: 1000, 128>}, {pipeline_mode = #tpu.pipeline_mode<synchronous>, transform_indices = @transform_3, window_bounds = array<i64: 128, 128>}, {pipeline_mode = #tpu.pipeline_mode<synchronous>, transform_indices = @transform_4, window_bounds = array<i64: 1, 128>}, {transform_indices = @transform_5, window_bounds = array<i64: 1000, 128>}, {transform_indices = @transform_6, window_bounds = array<i64: 1000, 128>}, {transform_indices = @transform_7, window_bounds = array<i64: 1000, 1>}]} {
    %get3A = arith.constant 0 : index
    %get3A_0 = arith.constant 0 : index
    %get3A_1 = vector.load %arg1[%get3A, %get3A_0] : memref<1000x128xf32, #tpu.memory_space<vmem>>, vector<1000x128xf32>
    %get3A_2 = arith.constant 0 : index
    %get3A_3 = arith.constant 0 : index
    %get3A_4 = vector.load %arg2[%get3A_2, %get3A_3] : memref<1000x128xf32, #tpu.memory_space<vmem>>, vector<1000x128xf32>
    %add3A = arith.addf %get3A_1, %get3A_4 : vector<1000x128xf32>
    %get3A_5 = arith.constant 0 : index
    %get3A_6 = arith.constant 0 : index
    %get3A_7 = vector.load %arg3[%get3A_5, %get3A_6] : memref<1000x128xf32, #tpu.memory_space<vmem>>, vector<1000x128xf32>
    %add3A_8 = arith.addf %add3A, %get3A_7 : vector<1000x128xf32>
    %max3A = arith.constant 0.000000e+00 : f32
    %max3A_9 = vector.broadcast %max3A : f32 to vector<1000x128xf32>
    %max3A_10 = arith.maximumf %add3A_8, %max3A_9 : vector<1000x128xf32>
    %swap3A = arith.constant 0 : index
    %swap3A_11 = arith.constant 0 : index
    %swap3A_12 = vector.load %arg6[%swap3A, %swap3A_11] : memref<1000x128xf32, #tpu.memory_space<vmem>>, vector<1000x128xf32>
    tpu.vector_store %arg6[%swap3A, %swap3A_11], %max3A_10 {strides = array<i32>} : memref<1000x128xf32, #tpu.memory_space<vmem>>, vector<1000x128xf32>,
    %get3A_13 = arith.constant 0 : index
    %get3A_14 = arith.constant 0 : index
    %get3A_15 = vector.load %arg4[%get3A_13, %get3A_14] : memref<128x128xf32, #tpu.memory_space<vmem>>, vector<128x128xf32>
    %dot_general3A = arith.constant dense<0.000000e+00> : vector<1000x128xf32>
    %dot_general3A_16 = tpu.matmul %max3A_10, %get3A_15, %dot_general3A {dimension_numbers = #tpu.dot_dimension_numbers<[1], [0], [0], [1], [0, 0, 1, 1], [], []>, transpose_lhs_hint = false} : vector<1000x128xf32>, vector<128x128xf32>, vector<1000x128xf32> -> vector<1000x128xf32>
    %get3A_17 = arith.constant 0 : index
    %get3A_18 = arith.constant 0 : index
    %get3A_19 = vector.load %arg5[%get3A_17, %get3A_18] : memref<1x128xf32, #tpu.memory_space<vmem>>, vector<1x128xf32>
    %add3A_20 = vector.broadcast %get3A_19 : vector<1x128xf32> to vector<1000x128xf32>
    %add3A_21 = arith.addf %dot_general3A_16, %add3A_20 : vector<1000x128xf32>
    %swap3A_22 = arith.constant 0 : index
    %swap3A_23 = arith.constant 0 : index
    %swap3A_24 = vector.load %arg7[%swap3A_22, %swap3A_23] : memref<1000x128xf32, #tpu.memory_space<vmem>>, vector<1000x128xf32>
    tpu.vector_store %arg7[%swap3A_22, %swap3A_23], %add3A_21 {strides = array<i32>} : memref<1000x128xf32, #tpu.memory_space<vmem>>, vector<1000x128xf32>,
    %reduce_max3A = arith.constant dense<0xFF800000> : vector<1000xf32>
    %reduce_max3A_25 = vector.multi_reduction <maximumf>, %add3A_21, %reduce_max3A [1] : vector<1000x128xf32> to vector<1000xf32>
    %broadcast_in_dim3A = vector.shape_cast %reduce_max3A_25 : vector<1000xf32> to vector<1000x1xf32>
    %iota3A = tpu.iota {dimensions = array<i32: 1>} : vector<1000x128xi32>
    %eq3A = vector.broadcast %broadcast_in_dim3A : vector<1000x1xf32> to vector<1000x128xf32>
    %eq3A_26 = arith.cmpf oeq, %add3A_21, %eq3A : vector<1000x128xf32>
    %jit3A = arith.constant 128 : i32
    %broadcast_in_dim3A_27 = vector.broadcast %jit3A : i32 to vector<1000x128xi32>
    %select_n3A = arith.select %eq3A_26, %iota3A, %broadcast_in_dim3A_27 : vector<1000x128xi1>, vector<1000x128xi32>
    %reduce_min3A = arith.constant dense<2147483647> : vector<1000xi32>
    %reduce_min3A_28 = vector.multi_reduction <minsi>, %select_n3A, %reduce_min3A [1] : vector<1000x128xi32> to vector<1000xi32>
    %broadcast_in_dim3A_29 = vector.shape_cast %reduce_min3A_28 : vector<1000xi32> to vector<1000x1xi32>
    %swap3A_30 = arith.constant 0 : index
    %swap3A_31 = arith.constant 0 : index
    %swap3A_32 = vector.load %arg8[%swap3A_30, %swap3A_31] : memref<1000x1xi32, #tpu.memory_space<vmem>>, vector<1000x1xi32>
    tpu.vector_store %arg8[%swap3A_30, %swap3A_31], %broadcast_in_dim3A_29 {strides = array<i32>} : memref<1000x1xi32, #tpu.memory_space<vmem>>, vector<1000x1xi32>,
    return
  }
  func.func @transform_0(%arg0: i32) -> (i32, i32) {
    %c0_i32 = arith.constant 0 : i32
    %c0_i32_0 = arith.constant 0 : i32
    return %arg0, %c0_i32 : i32, i32
  }
  func.func @transform_1(%arg0: i32) -> (i32, i32) {
    %add3A = arith.constant 10 : i32
    %add3A_0 = arith.addi %arg0, %add3A : i32
    %c0_i32 = arith.constant 0 : i32
    %c0_i32_1 = arith.constant 0 : i32
    return %add3A_0, %c0_i32 : i32, i32
  }
  func.func @transform_2(%arg0: i32) -> (i32, i32) {
    %c0_i32 = arith.constant 0 : i32
    %c0_i32_0 = arith.constant 0 : i32
    return %arg0, %c0_i32 : i32, i32
  }
  func.func @transform_3(%arg0: i32) -> (i32, i32) {
    %c0_i32 = arith.constant 0 : i32
    %c0_i32_0 = arith.constant 0 : i32
    %c0_i32_1 = arith.constant 0 : i32
    return %c0_i32, %c0_i32_0 : i32, i32
  }
  func.func @transform_4(%arg0: i32) -> (i32, i32) {
    %c0_i32 = arith.constant 0 : i32
    %c0_i32_0 = arith.constant 0 : i32
    %c0_i32_1 = arith.constant 0 : i32
    return %c0_i32, %c0_i32_0 : i32, i32
  }
  func.func @transform_5(%arg0: i32) -> (i32, i32) {
    %c0_i32 = arith.constant 0 : i32
    %c0_i32_0 = arith.constant 0 : i32
    return %arg0, %c0_i32 : i32, i32
  }
  func.func @transform_6(%arg0: i32) -> (i32, i32) {
    %c0_i32 = arith.constant 0 : i32
    %c0_i32_0 = arith.constant 0 : i32
    return %arg0, %c0_i32 : i32, i32
  }
  func.func @transform_7(%arg0: i32) -> (i32, i32) {
    %c0_i32 = arith.constant 0 : i32
    %c0_i32_0 = arith.constant 0 : i32
    return %arg0, %c0_i32 : i32, i32
  }
}

module attributes {stable_mosaic.version = 14 : i64} {
  func.func @_row_argmax_body(%arg0: i32, %arg1: memref<640x128xf32, #tpu.memory_space<vmem>>, %arg2: memref<640x1xi32, #tpu.memory_space<vmem>>) attributes {dimension_semantics = [#tpu.dimension_semantics<arbitrary>], iteration_bounds = array<i64: 8>, scalar_prefetch = 0 : i64, scratch_operands = 0 : i64, tpu.core_type = #tpu.core_type<tc>, window_params = [{transform_indices = @transform_0, window_bounds = array<i64: 640, 128>}, {transform_indices = @transform_1, window_bounds = array<i64: 640, 1>}]} {
    %get3A = arith.constant 0 : index
    %get3A_0 = arith.constant 0 : index
    %get3A_1 = vector.load %arg1[%get3A, %get3A_0] : memref<640x128xf32, #tpu.memory_space<vmem>>, vector<640x128xf32>
    %reduce_max3A = arith.constant dense<0xFF800000> : vector<640xf32>
    %reduce_max3A_2 = vector.multi_reduction <maximumf>, %get3A_1, %reduce_max3A [1] : vector<640x128xf32> to vector<640xf32>
    %broadcast_in_dim3A = vector.shape_cast %reduce_max3A_2 : vector<640xf32> to vector<640x1xf32>
    %iota3A = tpu.iota {dimensions = array<i32: 1>} : vector<640x128xi32>
    %eq3A = vector.broadcast %broadcast_in_dim3A : vector<640x1xf32> to vector<640x128xf32>
    %eq3A_3 = arith.cmpf oeq, %get3A_1, %eq3A : vector<640x128xf32>
    %jit3A = arith.constant 128 : i32
    %broadcast_in_dim3A_4 = vector.broadcast %jit3A : i32 to vector<640x128xi32>
    %select_n3A = arith.select %eq3A_3, %iota3A, %broadcast_in_dim3A_4 : vector<640x128xi1>, vector<640x128xi32>
    %reduce_min3A = arith.constant dense<2147483647> : vector<640xi32>
    %reduce_min3A_5 = vector.multi_reduction <minsi>, %select_n3A, %reduce_min3A [1] : vector<640x128xi32> to vector<640xi32>
    %broadcast_in_dim3A_6 = vector.shape_cast %reduce_min3A_5 : vector<640xi32> to vector<640x1xi32>
    %swap3A = arith.constant 0 : index
    %swap3A_7 = arith.constant 0 : index
    %swap3A_8 = vector.load %arg2[%swap3A, %swap3A_7] : memref<640x1xi32, #tpu.memory_space<vmem>>, vector<640x1xi32>
    tpu.vector_store %arg2[%swap3A, %swap3A_7], %broadcast_in_dim3A_6 {strides = array<i32>} : memref<640x1xi32, #tpu.memory_space<vmem>>, vector<640x1xi32>,
    return
  }
  func.func @transform_0(%arg0: i32) -> (i32, i32) {
    %c0_i32 = arith.constant 0 : i32
    %c0_i32_0 = arith.constant 0 : i32
    return %arg0, %c0_i32 : i32, i32
  }
  func.func @transform_1(%arg0: i32) -> (i32, i32) {
    %c0_i32 = arith.constant 0 : i32
    %c0_i32_0 = arith.constant 0 : i32
    return %arg0, %c0_i32 : i32, i32
  }
}

</mosaic_0001>

<sc_bundles>
// kernel: kernel.11.cloned.1.call-start
scs
__scs_entry_jumppad:
0x0: {  	(pc) =	sbr.rel $0x88, $3  }
0x1: {  	(tag) =	ssettag $0x0;
	lr =	simm.s32 $0x1  }
0x2: {  	[smem:$0x3F96] =	sst lr;
	_ =	strace $0xD0000000  }
0x3: {  	_ = 	snop  }
0x4: {  	_ = 	snop  }
0x5: {  	_ = 	snop  }
0x6: {  	_ = 	snop  }
0x7: {  	_ = 	snop  }
__scs_overlays_trampoline_lowered:
0x8: {  	[smem:$0x3FA5] =	sst s0  }
0x9: {  	[smem:$0x3FA6] =	sst s1  }
0xa: {  	[smem:$0x3FA7] =	sst s2  }
0xb: {  	[smem:$0x3FA8] =	sst s3  }
0xc: {  	[smem:$0x3FA9] =	sst s4  }
0xd: {  	[smem:$0x3FAA] =	sst s5  }
0xe: {  	[smem:$0x3FAB] =	sst s6  }
0xf: {  	[smem:$0x3FAC] =	sst s7  }
0x10: {  	[smem:$0x3FAD] =	sst s8  }
0x11: {  	[smem:$0x3FAE] =	sst s9;
	s0 =	simm.s32 @!p0 $0x0  }
0x12: {  	s1 =	sld [smem:$0x3F94];
	s0 =	simm.s32 @p0 $0x1  }
0x13: {  	[smem:$0x3FAF] =	sst s0;
	s0 =	simm.s32 @!p1 $0x0  }
0x14: {  	s2 =	sld [smem:$0x3F93];
	s0 =	simm.s32 @p1 $0x1  }
0x15: {  	[smem:$0x3FB0] =	sst s0;
	s0 =	simm.s32 @!p2 $0x0  }
0x16: {  	s3 =	sld [smem:$0x3FDB];
	s0 =	simm.s32 @p2 $0x1  }
0x17: {  	s4 =	simm.s32 $0x1BF5;
	[smem:$0x3FB2] =	sst s0  }
0x18: {  	s0 =	sld [smem:$0x3F95];
	_ =	swait.ge [sflag:s4], $0x0  }
0x19: {  	s7 =	sld [smem:$0x3F96]  }
0x1a: {  	s8 =	sadd.s32 $0xFFFFE003, lr  }
0x1b: {  	s9 =	sadd.s32 $0xFFFFFEF7, lr;
	s5 =	simm.s32 $0xFFFFFFFF;
	p2 =	slt.u32 s8, $0xFFFFF086  }
0x1c: {  	p1 =	slt.u32 s9, $0xF7A;
	s5 =	simm.s32 @!p2 $0x0  }
0x1d: {  	s5 =	simm.s32 @p1 $0x1;
	p0 =	seq.s32 s7, s2  }
0x1e: {  	s7 =	smul.u32 @!p0 $0xF7A, s2;
	p2 =	seq.s32 @!p0 s5, $0x0  }
0x1f: {  	s9 =	smul.u32 $0xF7A, s1;
	s8 =	simm.s32 @!p0 $0x1BF5;
	p2 =	por !p2, p0  }
0x20: {  	[sflag:s8] =	ssyncset.s32 @!p0 $0xFFFFF086;
	s6 =	sadd.s32 @!p0 s3, s7;
	s7 =	simm.s32 @!p0 $0x108  }
0x21: {  	s3 =	sadd.s32 s3, s9;
	s6 =	sadd.s32 @!p0 $0x88, s6;
	s7 =	simm.s32 @p2 $0x1082  }
0x22: {  	[simem:s7], [sflag:s8] =	dma.local @!p0 [hbm:s6], $0xF7A  }
0x23: {  	s9 =	sor.u32 $0xD0000000, s2;
	s6 =	simm.s32 $0x108;
	_ =	swait.ge @!p0 [sflag:s8], $0x0  }
0x24: {  	s3 =	sadd.s32 $0x88, s3;
	s6 =	simm.s32 @!p1 $0x1082;
	[sflag:s4] =	ssyncset.s32 $0xFFFFF086  }
0x25: {  	[simem:s6], [sflag:s4] =	dma.local [hbm:s3], $0xF7A  }
0x26: {  	[smem:$0x3F96] =	sst s1;
	(tag) =	ssettag s2;
	_ =	strace s9  }
0x27: {  	s1 =	sld [smem:$0x3FA6]  }
0x28: {  	s2 =	sld [smem:$0x3FA7]  }
0x29: {  	s4 =	sld [smem:$0x3FA9]  }
0x2a: {  	p0 =	seq.s32 s5, $0x0;
	s5 =	sld [smem:$0x3FAA]  }
0x2b: {  	s6 =	sld [smem:$0x3FAB]  }
0x2c: {  	s7 =	sld [smem:$0x3FAC]  }
0x2d: {  	s3 =	simm.s32 $0x108;
	s8 =	sld [smem:$0x3FAD]  }
0x2e: {  	s3 =	simm.s32 @!p0 $0x1082;
	s9 =	sld [smem:$0x3FAE]  }
0x2f: {  	lr =	sadd.s32 s0, s3;
	s0 =	sld [smem:$0x3FA5]  }
0x30: {  	s3 =	sld [smem:$0x3FA8]  }
0x31: {  	[smem:$0x3FB1] =	sst s10  }
0x32: {  	s10 =	sld [smem:$0x3FAF];
	_ =	sdelay $0x3  }
0x33: {  	p0 =	seq.s32 s10, $0x1;
	s10 =	sld [smem:$0x3FB1];
	_ =	sdelay $0x3  }
0x34: {  	[smem:$0x3FB1] =	sst s10  }
0x35: {  	s10 =	sld [smem:$0x3FB0];
	_ =	sdelay $0x3  }
0x36: {  	p1 =	seq.s32 s10, $0x1;
	s10 =	sld [smem:$0x3FB1];
	_ =	sdelay $0x3  }
0x37: {  	[smem:$0x3FB1] =	sst s10  }
0x38: {  	s10 =	sld [smem:$0x3FB2]  }
0x39: {  	_ = 	snop;
	(pc) =	sbr.ind lr, $3  }
0x3a: {  	_ = 	snop  }
0x3b: {  	_ = 	snop  }
0x3c: {  	p2 =	seq.s32 s10, $0x1;
	s10 =	sld [smem:$0x3FB1]  }
0x3d: {  	_ =	shalt  }
0x3e: {  	_ =	shalt  }
0x3f: {  	_ =	shalt  }
0x40: {  	_ =	shalt  }
0x41: {  	_ =	shalt  }
0x42: {  	_ =	shalt  }
0x43: {  	_ =	shalt  }
0x44: {  	_ =	shalt  }
0x45: {  	_ =	shalt  }
0x46: {  	_ =	shalt  }
0x47: {  	_ =	shalt  }
0x48: {  	_ =	shalt  }
0x49: {  	_ =	shalt  }
0x4a: {  	_ =	shalt  }
0x4b: {  	_ =	shalt  }
0x4c: {  	_ =	shalt  }
0x4d: {  	_ =	shalt  }
0x4e: {  	_ =	shalt  }
0x4f: {  	_ =	shalt  }
0x50: {  	_ =	shalt  }
0x51: {  	_ =	shalt  }
0x52: {  	_ =	shalt  }
0x53: {  	_ =	shalt  }
0x54: {  	_ =	shalt  }
0x55: {  	_ =	shalt  }
0x56: {  	_ =	shalt  }
0x57: {  	_ =	shalt  }
0x58: {  	_ =	shalt  }
0x59: {  	_ =	shalt  }
0x5a: {  	_ =	shalt  }
0x5b: {  	_ =	shalt  }
0x5c: {  	_ =	shalt  }
0x5d: {  	_ =	shalt  }
0x5e: {  	_ =	shalt  }
0x5f: {  	_ =	shalt  }
0x60: {  	_ =	shalt  }
0x61: {  	_ =	shalt  }
0x62: {  	_ =	shalt  }
0x63: {  	_ =	shalt  }
0x64: {  	_ =	shalt  }
0x65: {  	_ =	shalt  }
0x66: {  	_ =	shalt  }
0x67: {  	_ =	shalt  }
0x68: {  	_ =	shalt  }
0x69: {  	_ =	shalt  }
0x6a: {  	_ =	shalt  }
0x6b: {  	_ =	shalt  }
0x6c: {  	_ =	shalt  }
0x6d: {  	_ =	shalt  }
0x6e: {  	_ =	shalt  }
0x6f: {  	_ =	shalt  }
0x70: {  	_ =	shalt  }
0x71: {  	_ =	shalt  }
0x72: {  	_ =	shalt  }
0x73: {  	_ =	shalt  }
0x74: {  	_ =	shalt  }
0x75: {  	_ =	shalt  }
0x76: {  	_ =	shalt  }
0x77: {  	_ =	shalt  }
0x78: {  	_ =	shalt  }
0x79: {  	_ =	shalt  }
0x7a: {  	_ =	shalt  }
0x7b: {  	_ =	shalt  }
0x7c: {  	_ =	shalt  }
0x7d: {  	_ =	shalt  }
0x7e: {  	_ =	shalt  }
0x7f: {  	_ =	shalt  }
0x80: {  	_ =	shalt  }
0x81: {  	_ =	shalt  }
0x82: {  	_ =	shalt  }
0x83: {  	_ =	shalt  }
0x84: {  	_ =	shalt  }
0x85: {  	_ =	shalt  }
0x86: {  	_ =	shalt  }
0x87: {  	_ =	shalt  }
.Lfunc_end0:
.L_simem_size_0:
called_computation_lowered:
.L_overlay_start_0:
0x88: {  	s2 =	sld [smem:$0x3FD9]  }
0x89: {  	s3 =	sld [smem:$0x3FFE];
	_ =	sdelay $0x1  }
0x8a: {  	s1 =	srdreg.scid  }
0x8b: {  	s0 =	sand.u32 $0x1, s1  }
0x8c: {  	s14 =	sshll.u32 s0, $0xA;
	s2 =	sadd.s32 s3, s2  }
0x8d: {  	s2 =	sadd.s32 s2, s14  }
0x8e: {  	[smem:$0x3FBD] =	sst s2  }
0x8f: {  	_ = 	snop  }
0x90: {  	s2 =	sld [smem:$0x3FD0];
	_ =	sdelay $0x2  }
0x91: {  	s15 =	simm.s32 $0xA;
	s4 =	simm.s32 $0x10  }
0x92: {  	[smem:s4], [sflag:s15] =	dma.local [hbm:s2], $0x1  }
0x93: {  	_ =	swait.eq [sflag:s15], $0x1  }
0x94: {  	[sflag:s15] =	ssyncset.done $0x0  }
0x95: {  	[sflag:s15] =	ssyncadd.s32 $0xFFFFFFFF  }
0x96: {  	s16 =	sld [smem:$0x10];
	(tm) =	ssettm $0x1  }
0x97: {  	s17 =	sld [smem:$0x3FFB];
	_ =	sdelay $0x3  }
0x98: {  	_ =	strace s17  }
0x99: {  	s3 =	sld [smem:$0x3FFC];
	_ =	sdelay $0x3  }
0x9a: {  	_ =	strace s3  }
0x9b: {  	s3 =	sld [smem:$0x3FFD];
	_ =	sdelay $0x3  }
0x9c: {  	_ =	strace s3  }
0x9d: {  	_ =	strace $0x8FFFFFFF  }
0x9e: {  	s18 =	sld [smem:$0x3FDB];
	_ =	sdelay $0x1  }
0x9f: {  	s19 =	simm.s32 $_scs_section_size  }
0xa0: {  	s5 =	simm.s32 $_size__tile_overlayer_lowered;
	s6 =	simm.s32 $_tile_overlayer_lowered  }
0xa1: {  	s22 =	simm.s32 $0x1BFF;
	s21 =	sshll.u32 s6, $0x1;
	s3 =	sadd.s32 s19, s18  }
0xa2: {  	s7 =	simm.s32 $0x0;
	s20 =	sshll.u32 s5, $0x1;
	s5 =	sadd.s32 s21, s3  }
0xa3: {  	[timem:s7], [sflag:s22] =	dma.local [hbm:s5], s20  }
0xa4: {  	_ =	swait.ge [sflag:s22], s20  }
0xa5: {  	s4 =	ssub.s32 $0x0, s20;
	[sflag:s22] =	ssyncset.done $0x0  }
0xa6: {  	[sflag:s22] =	ssyncadd.s32 s4;
	_ =	sdelay $0x1  }
0xa7: {  	s23 =	simm.s32 $0x1B8B  }
0xa8: {  	_ =	swait.ge [sflag:s23], $0x1  }
0xa9: {  	[sflag:s23] =	ssyncset.done $0x0  }
0xaa: {  	s25 =	simm.s32 $0x1B8E;
	s24 =	sld [smem:$0x3FFE];
	[sflag:s23] =	ssyncadd.s32 $0xFFFFFFFF  }
0xab: {  	s26 =	simm.s32 $execute0_lowered;
	[smem:$0x3FD2] =	sst s25  }
0xac: {  	s5 =	sshll.u32 s26, $0x1;
	_ =	strace $0x80000046;
	[dreg:$0x1] =	wrdreg $0xFFFFFFFF  }
0xad: {  	s28 =	simm.s32 $_size_execute0_lowered;
	s3 =	sadd.s32 s3, s5;
	[dreg:$0x0] =	wrdreg $0x0  }
0xae: {  	s5 =	sshll.u32 s28, $0x1;
	[dreg:$0x2] =	wrdreg s3  }
0xaf: {  	[dreg:$0x3] =	wrdreg s5  }
0xb0: {  	[dreg:$0x4] =	wrdreg $0xC0  }
0xb1: {  	_ =	task [dreg:s7], $0x5FFFF  }
0xb2: {  	[dreg:$0x1] =	wrdreg $0xFFFFFFFF  }
0xb3: {  	[dreg:$0x0] =	wrdreg $0x60  }
0xb4: {  	[dreg:$0x2] =	wrdreg s16  }
0xb5: {  	[dreg:$0x3] =	wrdreg s24  }
0xb6: {  	[dreg:$0x4] =	wrdreg $0x90000  }
0xb7: {  	[dreg:$0x5] =	wrdreg $0x9  }
0xb8: {  	_ =	task.clear_ibuf [dreg:s7], $0x6FFFF;
	_ =	strace $0x90000046  }
0xb9: {  	s29 =	simm.s32 $0x9;
	_ =	strace $0x80000048  }
0xba: {  	_ =	swait.ge [sflag:s29], $0x1  }
0xbb: {  	[sflag:s29] =	ssyncadd.s32 $0xFFFFFFFF  }
0xbc: {  	_ =	strace $0x90000048  }
0xbd: {  	_ =	sfence  }
0xbe: {  	s30 =	sld [smem:$0x0];
	_ =	sdelay $0x2  }
0xbf: {  	s31 =	sshll.u32 s1, $0xD;
	s1 =	sshrl.u32 s1, $0x2  }
0xc0: {  	s3 =	sand.u32 $0x4000, s31;
	s1 =	sadd.s32 s1, s30  }
0xc1: {  	s0 =	sor.u32 s3, s0;
	s1 =	sshll.u32 s1, $0x11  }
0xc2: {  	s0 =	sor.u32 s1, s0  }
0xc3: {  	s0 =	sadd.s32 $0x8F2B, s0  }
0xc4: {  	[sflag:s0] =	ssyncadd.remote.s32 $0x1  }
0xc5: {  	_ =	sfence.sel $0xFFFF  }
0xc6: {  	[dreg:$0x0] =	wrdreg $0xFFFFFFFF;
	(pc) =	sbr.abs _section_cstart, $3  }
0xc7: {  	[dreg:$0x1] =	wrdreg $0xFFFFFFFF  }
0xc8: {  	_ =	task.clear_ibuf [dreg:s7], $0x2FFFF;
	_ =	strace $0x9FFFFFFF  }
0xc9: {  	(tm) =	ssettm $0x7FFFFFFF  }
tec
execute0_lowered:
.L_overlay_start_1:
0x0: {  	(tag) =	ssettag $0x1  }
0x1: {  	s1 =	rddreg [dreg:$0x0]  }
0x2: {  	s6 =	rddreg [dreg:$0x1]  }
0x3: {  	s2 =	srdreg.scid;
	s0 =	stileid.u32  }
0x4: {  	s3 =	rddreg [dreg:$0x2];
	s4 =	simm.s32 $0x0;
	s16 =	simm.s32 $0x5000  }
0x5: {  	s17 =	simm.s32 $0x1;
	s20 =	simm.s32 $0x0;
	s7 =	sand.u32 $0x1, s2  }
0x6: {  	s5 =	sshll.u32 s0, $0x1;
	s2 =	rddreg [dreg:$0x3];
	s10 =	smul.u32 $0x4F000, s0  }
0x7: {  	[smem:$0x7FF] =	sst s4;
	s12 =	smul.u32 $0x4E000, s0;
	s13 =	sadd.s32 $0x19400, s6  }
0x8: {  	s30 =	sshll.u32 s0, $0x6;
	s14 =	smul.u32 $0x2700, s0;
	s19 =	sadd.s32 $0x138000, s3  }
0x9: {  	p0 =	sne.s32 s0, $0xF;
	s5 =	sor.u32 s7, s5;
	s28 =	smul.u32 $0x27100, s7  }
0xa: {  	_ =	strace $0x80000047;
	s9 =	ssub.s32 $0x2, s7;
	s31 =	smul.u32 $0x138800, s7  }
0xb: {  	s19 =	sshrl.u32 @!p0 s19, $0x3;
	s5 =	smul.u32 $0x500, s5;
	s11 =	sshrl.u32 s9, $0x1  }
0xc: {  	s29 =	sshrl.u32 s10, $0x2;
	s12 =	sshrl.u32 s12, $0x2;
	s11 =	ssub.s32 s9, s11  }
0xd: {  	s15 =	sadd.s32 s29, s3;
	s18 =	sadd.s32 s12, s3;
	s9 =	sadd.s32 s14, s28  }
0xe: {  	s10 =	sshrl.u32 s31, $0x3;
	s14 =	simm.s32 $0x2800;
	s8 =	sadd.s32 s5, s6  }
0xf: {  	s5 =	sadd.s32 $0x16C00, s6;
	s6 =	sor.u32 $0x1C02, s30;
	s9 =	sadd.s32 s13, s9  }
0x10: {  	s10 =	sadd.s32 s13, s10;
	s11 =	smax.u32 s11, $0x1;
	s12 =	sshrl.u32 s15, $0x3  }
0x11: {  	s13 =	simm.s32 $0x2;
	s15 =	simm.s32 $0x80;
	s18 =	sshrl.u32 s18, $0x3  }
0x12: {  	s7 =	sadd.s32 $0xCC00, s8;
	s8 =	sadd.s32 $0x2C00, s8;
	s10 =	sadd.s32 $0x27000, s10  }
.LBB2_1:
0x13: {  	[spmem:s12], [sflag:s6] =	dma.local [hbm:s5], $0x2780  }
0x14: {  	_ =	swait.ge [sflag:s13], $0x2780  }
0x15: {  	[sflag:s13] =	ssyncset.done $0x0  }
0x16: {  	[sflag:s13] =	ssyncadd.s32 $0xFFFFD880  }
0x17: {  	[tilespmem:s4], [sflag:$0x2] =	stream.linear.gather [hbm4b:s7+s4], $0x2780, $0x38;
	[tilespmem:$0x1CC00] =	vst v63  }
0x18: {  	_ =	swait.ge [sflag:s13], $0x2780  }
0x19: {  	[sflag:s13] =	ssyncset.done $0x0  }
0x1a: {  	[sflag:s13] =	ssyncadd.s32 $0xFFFFD880  }
0x1b: {  	[tilespmem:s14], [sflag:$0x2] =	stream.linear.gather [hbm4b:s8+s4], $0x2780, $0x38;
	[tilespmem:$0x1CC00] =	vst v63  }
0x1c: {  	_ =	swait.ge [sflag:s13], $0x2780  }
0x1d: {  	[sflag:s13] =	ssyncset.done $0x0  }
0x1e: {  	[sflag:s13] =	ssyncadd.s32 $0xFFFFD880  }
0x1f: {  	s21 =	simm.s32 $0x0;
	[bflag:$0x0] =	sbarrier.arrive $0xFFFF  }
0x20: {  	[tilespmem:s16], [sflag:$0x1] =	stream.indirect.gather [hbm4b:s1+s15], $0x80, s21, s15, $0xb8;
	[tilespmem:$0x1CC00] =	vst v63  }
0x21: {  	_ =	swait.ge [sflag:s17], $0x4000  }
0x22: {  	[sflag:s17] =	ssyncset.done $0x0  }
0x23: {  	s31 =	simm.s32 $0x2800;
	[sflag:s17] =	ssyncadd.s32 $0xFFFFC000  }
0x24: {  	[spmem:s3] =	stream.indirect.scatter.add.f32 [tilespmem:s16], [sflag:$0x2], $0x80, s31, s15, $0xb8;
	[tilespmem:$0x1CC00] =	vst v63  }
0x25: {  	_ =	swait.ge [sflag:s13], $0x4000  }
0x26: {  	s22 =	simm.s32 $0x400;
	s21 =	simm.s32 $0x200;
	[sflag:s13] =	ssyncset.done $0x0  }
.LBB2_2:
0x27: {  	s23 =	sshra.s32 s21, $0x2  }
0x28: {  	[sflag:s13] =	ssyncadd.s32 $0xFFFFC000;
	s21 =	smov.u32 s22;
	s24 =	sadd.s32 $0x200, s22  }
0x29: {  	[tilespmem:s16], [sflag:$0x1] =	stream.indirect.gather [hbm4b:s1+s15], $0x80, s23, s15, $0xb8;
	[tilespmem:$0x1CC00] =	vst v63  }
0x2a: {  	p1 =	sne.s32 s22, $0x9C00;
	_ =	swait.ge [sflag:s17], $0x4000  }
.Ltmp0:
0x2b: {  	[sflag:s17] =	ssyncset.done $0x0;
	(pc) =	sbr.rel @p1 .LBB2_2-.Ltmp0, $4  }
0x2c: {  	s22 =	sadd.s32 $0x2800, s23;
	[sflag:s17] =	ssyncadd.s32 $0xFFFFC000  }
0x2d: {  	[spmem:s3] =	stream.indirect.scatter.add.f32 [tilespmem:s16], [sflag:$0x2], $0x80, s22, s15, $0xb8;
	[tilespmem:$0x1CC00] =	vst v63  }
0x2e: {  	_ =	swait.ge [sflag:s13], $0x4000  }
0x2f: {  	s22 =	smov.u32 s24;
	[sflag:s13] =	ssyncset.done $0x0  }
0x30: {  	s21 =	sshra.s32 s21, $0x2;
	[sflag:s13] =	ssyncadd.s32 $0xFFFFC000  }
0x31: {  	[tilespmem:s16], [sflag:$0x1] =	stream.indirect.gather [hbm4b:s1+s15], $0x80, s21, s15, $0xb8;
	[tilespmem:$0x1CC00] =	vst v63  }
0x32: {  	_ =	swait.ge [sflag:s17], $0x4000  }
0x33: {  	[sflag:s17] =	ssyncset.done $0x0  }
0x34: {  	s21 =	sadd.s32 $0x2800, s21;
	[sflag:s17] =	ssyncadd.s32 $0xFFFFC000  }
0x35: {  	[spmem:s3] =	stream.indirect.scatter.add.f32 [tilespmem:s16], [sflag:$0x2], $0x80, s21, s15, $0xb8;
	[tilespmem:$0x1CC00] =	vst v63  }
0x36: {  	_ =	swait.ge [sflag:s13], $0x4000  }
0x37: {  	[sflag:s13] =	ssyncset.done $0x0  }
0x38: {  	[sflag:s13] =	ssyncadd.s32 $0xFFFFC000  }
0x39: {  	[bflag:$0x0] =	sbarrier.arrive $0xFFFF  }
0x3a: {  	[hbm:s9], [sflag:s6] =	dma.local [spmem:s18], $0x2700  }
0x3b: {  	s20 =	sadd.s32 $0x1, s20;
	_ =	swait.ge [sflag:s13], $0x2700  }
0x3c: {  	p1 =	sne.s32 s20, s11;
	[sflag:s13] =	ssyncset.done $0x0  }
.Ltmp1:
0x3d: {  	s21 =	simm.s32 @!p0 $0x2;
	[sflag:s13] =	ssyncadd.s32 $0xFFFFD900;
	(pc) =	sbr.rel @p1 .LBB2_1-.Ltmp1, $4  }
0x3e: {  	[hbm:s10], [sflag:s6] =	dma.local @!p0 [spmem:s19], $0x100  }
0x3f: {  	_ =	swait.ge @!p0 [sflag:s21], $0x100  }
0x40: {  	[sflag:s21] =	ssyncset.done @!p0 $0x0  }
0x41: {  	[sflag:s21] =	ssyncadd.s32 @!p0 $0xFFFFFF00  }
0x42: {  	_ =	sfence.sel $0x180000  }
0x43: {  	[bflag:$0x0] =	sbarrier.arrive $0xFFFF  }
0x44: {  	p0 =	sne.s32 s0, $0x0;
	_ =	strace $0x90000047  }
0x45: {  	s0 =	sadd.s32 @!p0 $0x100000, s2;
	[bflag:$0x2] =	sbarrier.arrive $0xFFFF  }
0x46: {  	[sflag:s0] =	ssyncadd.tile.s32 @!p0 $0x1;
	_ =	shalt  }
.Lfunc_end2:
_tile_overlayer_lowered:
.L_overlay_start_2:
0x47: {  	(tag) =	ssettag $0x2  }
0x48: {  	s0 =	rddreg [dreg:$0x0];
	s2 =	stileid.u32  }
0x49: {  	s1 =	rddreg [dreg:$0x1];
	p0 =	sne.s32 s2, $0x0  }
0x4a: {  	s3 =	rddreg [dreg:$0x2];
	[bflag:$0x3] =	sbarrier.arrive $0xFFFF;
	s2 =	simm.s32 @!p0 $0x1C02  }
0x4b: {  	[timem:s3], [sflag:s2] =	dma.local @!p0 [hbm:s0], s1  }
0x4c: {  	s0 =	simm.s32 @!p0 $0x2  }
0x4d: {  	_ =	swait.ge @!p0 [sflag:s0], s1  }
0x4e: {  	s1 =	ssub.s32 @!p0 $0x0, s1;
	[sflag:s0] =	ssyncset.done @!p0 $0x0  }
0x4f: {  	[sflag:s0] =	ssyncadd.s32 @!p0 s1  }
0x50: {  	[bflag:$0x3] =	sbarrier.arrive $0xFFFF  }
0x51: {  	_ =	shalt  }

// kernel: kernel.14.cloned.1.call-start
scs
__scs_entry_jumppad:
0x0: {  	(pc) =	sbr.rel $0x88, $3  }
0x1: {  	(tag) =	ssettag $0x0;
	lr =	simm.s32 $0x1  }
0x2: {  	[smem:$0x3F96] =	sst lr;
	_ =	strace $0xD0000000  }
0x3: {  	_ = 	snop  }
0x4: {  	_ = 	snop  }
0x5: {  	_ = 	snop  }
0x6: {  	_ = 	snop  }
0x7: {  	_ = 	snop  }
__scs_overlays_trampoline_lowered:
0x8: {  	[smem:$0x3FA5] =	sst s0  }
0x9: {  	[smem:$0x3FA6] =	sst s1  }
0xa: {  	[smem:$0x3FA7] =	sst s2  }
0xb: {  	[smem:$0x3FA8] =	sst s3  }
0xc: {  	[smem:$0x3FA9] =	sst s4  }
0xd: {  	[smem:$0x3FAA] =	sst s5  }
0xe: {  	[smem:$0x3FAB] =	sst s6  }
0xf: {  	[smem:$0x3FAC] =	sst s7  }
0x10: {  	[smem:$0x3FAD] =	sst s8  }
0x11: {  	[smem:$0x3FAE] =	sst s9;
	s0 =	simm.s32 @!p0 $0x0  }
0x12: {  	s1 =	sld [smem:$0x3F94];
	s0 =	simm.s32 @p0 $0x1  }
0x13: {  	[smem:$0x3FAF] =	sst s0;
	s0 =	simm.s32 @!p1 $0x0  }
0x14: {  	s2 =	sld [smem:$0x3F93];
	s0 =	simm.s32 @p1 $0x1  }
0x15: {  	[smem:$0x3FB0] =	sst s0;
	s0 =	simm.s32 @!p2 $0x0  }
0x16: {  	s3 =	sld [smem:$0x3FDB];
	s0 =	simm.s32 @p2 $0x1  }
0x17: {  	s4 =	simm.s32 $0x1BF5;
	[smem:$0x3FB2] =	sst s0  }
0x18: {  	s0 =	sld [smem:$0x3F95];
	_ =	swait.ge [sflag:s4], $0x0  }
0x19: {  	s7 =	sld [smem:$0x3F96]  }
0x1a: {  	s8 =	sadd.s32 $0xFFFFE003, lr  }
0x1b: {  	s9 =	sadd.s32 $0xFFFFFEF7, lr;
	s5 =	simm.s32 $0xFFFFFFFF;
	p2 =	slt.u32 s8, $0xFFFFF086  }
0x1c: {  	p1 =	slt.u32 s9, $0xF7A;
	s5 =	simm.s32 @!p2 $0x0  }
0x1d: {  	s5 =	simm.s32 @p1 $0x1;
	p0 =	seq.s32 s7, s2  }
0x1e: {  	s7 =	smul.u32 @!p0 $0xF7A, s2;
	p2 =	seq.s32 @!p0 s5, $0x0  }
0x1f: {  	s9 =	smul.u32 $0xF7A, s1;
	s8 =	simm.s32 @!p0 $0x1BF5;
	p2 =	por !p2, p0  }
0x20: {  	[sflag:s8] =	ssyncset.s32 @!p0 $0xFFFFF086;
	s6 =	sadd.s32 @!p0 s3, s7;
	s7 =	simm.s32 @!p0 $0x108  }
0x21: {  	s3 =	sadd.s32 s3, s9;
	s6 =	sadd.s32 @!p0 $0x88, s6;
	s7 =	simm.s32 @p2 $0x1082  }
0x22: {  	[simem:s7], [sflag:s8] =	dma.local @!p0 [hbm:s6], $0xF7A  }
0x23: {  	s9 =	sor.u32 $0xD0000000, s2;
	s6 =	simm.s32 $0x108;
	_ =	swait.ge @!p0 [sflag:s8], $0x0  }
0x24: {  	s3 =	sadd.s32 $0x88, s3;
	s6 =	simm.s32 @!p1 $0x1082;
	[sflag:s4] =	ssyncset.s32 $0xFFFFF086  }
0x25: {  	[simem:s6], [sflag:s4] =	dma.local [hbm:s3], $0xF7A  }
0x26: {  	[smem:$0x3F96] =	sst s1;
	(tag) =	ssettag s2;
	_ =	strace s9  }
0x27: {  	s1 =	sld [smem:$0x3FA6]  }
0x28: {  	s2 =	sld [smem:$0x3FA7]  }
0x29: {  	s4 =	sld [smem:$0x3FA9]  }
0x2a: {  	p0 =	seq.s32 s5, $0x0;
	s5 =	sld [smem:$0x3FAA]  }
0x2b: {  	s6 =	sld [smem:$0x3FAB]  }
0x2c: {  	s7 =	sld [smem:$0x3FAC]  }
0x2d: {  	s3 =	simm.s32 $0x108;
	s8 =	sld [smem:$0x3FAD]  }
0x2e: {  	s3 =	simm.s32 @!p0 $0x1082;
	s9 =	sld [smem:$0x3FAE]  }
0x2f: {  	lr =	sadd.s32 s0, s3;
	s0 =	sld [smem:$0x3FA5]  }
0x30: {  	s3 =	sld [smem:$0x3FA8]  }
0x31: {  	[smem:$0x3FB1] =	sst s10  }
0x32: {  	s10 =	sld [smem:$0x3FAF];
	_ =	sdelay $0x3  }
0x33: {  	p0 =	seq.s32 s10, $0x1;
	s10 =	sld [smem:$0x3FB1];
	_ =	sdelay $0x3  }
0x34: {  	[smem:$0x3FB1] =	sst s10  }
0x35: {  	s10 =	sld [smem:$0x3FB0];
	_ =	sdelay $0x3  }
0x36: {  	p1 =	seq.s32 s10, $0x1;
	s10 =	sld [smem:$0x3FB1];
	_ =	sdelay $0x3  }
0x37: {  	[smem:$0x3FB1] =	sst s10  }
0x38: {  	s10 =	sld [smem:$0x3FB2]  }
0x39: {  	_ = 	snop;
	(pc) =	sbr.ind lr, $3  }
0x3a: {  	_ = 	snop  }
0x3b: {  	_ = 	snop  }
0x3c: {  	p2 =	seq.s32 s10, $0x1;
	s10 =	sld [smem:$0x3FB1]  }
0x3d: {  	_ =	shalt  }
0x3e: {  	_ =	shalt  }
0x3f: {  	_ =	shalt  }
0x40: {  	_ =	shalt  }
0x41: {  	_ =	shalt  }
0x42: {  	_ =	shalt  }
0x43: {  	_ =	shalt  }
0x44: {  	_ =	shalt  }
0x45: {  	_ =	shalt  }
0x46: {  	_ =	shalt  }
0x47: {  	_ =	shalt  }
0x48: {  	_ =	shalt  }
0x49: {  	_ =	shalt  }
0x4a: {  	_ =	shalt  }
0x4b: {  	_ =	shalt  }
0x4c: {  	_ =	shalt  }
0x4d: {  	_ =	shalt  }
0x4e: {  	_ =	shalt  }
0x4f: {  	_ =	shalt  }
0x50: {  	_ =	shalt  }
0x51: {  	_ =	shalt  }
0x52: {  	_ =	shalt  }
0x53: {  	_ =	shalt  }
0x54: {  	_ =	shalt  }
0x55: {  	_ =	shalt  }
0x56: {  	_ =	shalt  }
0x57: {  	_ =	shalt  }
0x58: {  	_ =	shalt  }
0x59: {  	_ =	shalt  }
0x5a: {  	_ =	shalt  }
0x5b: {  	_ =	shalt  }
0x5c: {  	_ =	shalt  }
0x5d: {  	_ =	shalt  }
0x5e: {  	_ =	shalt  }
0x5f: {  	_ =	shalt  }
0x60: {  	_ =	shalt  }
0x61: {  	_ =	shalt  }
0x62: {  	_ =	shalt  }
0x63: {  	_ =	shalt  }
0x64: {  	_ =	shalt  }
0x65: {  	_ =	shalt  }
0x66: {  	_ =	shalt  }
0x67: {  	_ =	shalt  }
0x68: {  	_ =	shalt  }
0x69: {  	_ =	shalt  }
0x6a: {  	_ =	shalt  }
0x6b: {  	_ =	shalt  }
0x6c: {  	_ =	shalt  }
0x6d: {  	_ =	shalt  }
0x6e: {  	_ =	shalt  }
0x6f: {  	_ =	shalt  }
0x70: {  	_ =	shalt  }
0x71: {  	_ =	shalt  }
0x72: {  	_ =	shalt  }
0x73: {  	_ =	shalt  }
0x74: {  	_ =	shalt  }
0x75: {  	_ =	shalt  }
0x76: {  	_ =	shalt  }
0x77: {  	_ =	shalt  }
0x78: {  	_ =	shalt  }
0x79: {  	_ =	shalt  }
0x7a: {  	_ =	shalt  }
0x7b: {  	_ =	shalt  }
0x7c: {  	_ =	shalt  }
0x7d: {  	_ =	shalt  }
0x7e: {  	_ =	shalt  }
0x7f: {  	_ =	shalt  }
0x80: {  	_ =	shalt  }
0x81: {  	_ =	shalt  }
0x82: {  	_ =	shalt  }
0x83: {  	_ =	shalt  }
0x84: {  	_ =	shalt  }
0x85: {  	_ =	shalt  }
0x86: {  	_ =	shalt  }
0x87: {  	_ =	shalt  }
.Lfunc_end0:
.L_simem_size_0:
called_computation.1_lowered:
.L_overlay_start_0:
0x88: {  	s2 =	sld [smem:$0x3FD9]  }
0x89: {  	s3 =	sld [smem:$0x3FFE];
	_ =	sdelay $0x1  }
0x8a: {  	s1 =	srdreg.scid  }
0x8b: {  	s0 =	sand.u32 $0x1, s1  }
0x8c: {  	s14 =	sshll.u32 s0, $0xA;
	s2 =	sadd.s32 s3, s2  }
0x8d: {  	s2 =	sadd.s32 s2, s14  }
0x8e: {  	[smem:$0x3FBD] =	sst s2  }
0x8f: {  	_ = 	snop  }
0x90: {  	s2 =	sld [smem:$0x3FD0];
	_ =	sdelay $0x2  }
0x91: {  	s15 =	simm.s32 $0xA;
	s4 =	simm.s32 $0x10  }
0x92: {  	[smem:s4], [sflag:s15] =	dma.local [hbm:s2], $0x1  }
0x93: {  	_ =	swait.eq [sflag:s15], $0x1  }
0x94: {  	[sflag:s15] =	ssyncset.done $0x0  }
0x95: {  	[sflag:s15] =	ssyncadd.s32 $0xFFFFFFFF  }
0x96: {  	s16 =	sld [smem:$0x10];
	(tm) =	ssettm $0x1  }
0x97: {  	s17 =	sld [smem:$0x3FFB];
	_ =	sdelay $0x3  }
0x98: {  	_ =	strace s17  }
0x99: {  	s3 =	sld [smem:$0x3FFC];
	_ =	sdelay $0x3  }
0x9a: {  	_ =	strace s3  }
0x9b: {  	s3 =	sld [smem:$0x3FFD];
	_ =	sdelay $0x3  }
0x9c: {  	_ =	strace s3  }
0x9d: {  	_ =	strace $0x8FFFFFFF  }
0x9e: {  	s18 =	sld [smem:$0x3FDB];
	_ =	sdelay $0x1  }
0x9f: {  	s19 =	simm.s32 $_scs_section_size  }
0xa0: {  	s5 =	simm.s32 $_size__tile_overlayer_lowered;
	s6 =	simm.s32 $_tile_overlayer_lowered  }
0xa1: {  	s22 =	simm.s32 $0x1BFF;
	s21 =	sshll.u32 s6, $0x1;
	s3 =	sadd.s32 s19, s18  }
0xa2: {  	s7 =	simm.s32 $0x0;
	s20 =	sshll.u32 s5, $0x1;
	s5 =	sadd.s32 s21, s3  }
0xa3: {  	[timem:s7], [sflag:s22] =	dma.local [hbm:s5], s20  }
0xa4: {  	_ =	swait.ge [sflag:s22], s20  }
0xa5: {  	s4 =	ssub.s32 $0x0, s20;
	[sflag:s22] =	ssyncset.done $0x0  }
0xa6: {  	[sflag:s22] =	ssyncadd.s32 s4;
	_ =	sdelay $0x1  }
0xa7: {  	s23 =	simm.s32 $0x1B8B  }
0xa8: {  	_ =	swait.ge [sflag:s23], $0x1  }
0xa9: {  	[sflag:s23] =	ssyncset.done $0x0  }
0xaa: {  	s25 =	simm.s32 $0x1B8E;
	s24 =	sld [smem:$0x3FFE];
	[sflag:s23] =	ssyncadd.s32 $0xFFFFFFFF  }
0xab: {  	s26 =	simm.s32 $execute0_lowered;
	[smem:$0x3FD2] =	sst s25  }
0xac: {  	s5 =	sshll.u32 s26, $0x1;
	_ =	strace $0x80000049;
	[dreg:$0x1] =	wrdreg $0xFFFFFFFF  }
0xad: {  	s28 =	simm.s32 $_size_execute0_lowered;
	s3 =	sadd.s32 s3, s5;
	[dreg:$0x0] =	wrdreg $0x0  }
0xae: {  	s5 =	sshll.u32 s28, $0x1;
	[dreg:$0x2] =	wrdreg s3  }
0xaf: {  	[dreg:$0x3] =	wrdreg s5  }
0xb0: {  	[dreg:$0x4] =	wrdreg $0xC0  }
0xb1: {  	_ =	task [dreg:s7], $0x5FFFF  }
0xb2: {  	[dreg:$0x1] =	wrdreg $0xFFFFFFFF  }
0xb3: {  	[dreg:$0x0] =	wrdreg $0x60  }
0xb4: {  	[dreg:$0x2] =	wrdreg s16  }
0xb5: {  	[dreg:$0x3] =	wrdreg s24  }
0xb6: {  	[dreg:$0x4] =	wrdreg $0x90000  }
0xb7: {  	[dreg:$0x5] =	wrdreg $0x9  }
0xb8: {  	_ =	task.clear_ibuf [dreg:s7], $0x6FFFF;
	_ =	strace $0x90000049  }
0xb9: {  	s29 =	simm.s32 $0x9;
	_ =	strace $0x8000004B  }
0xba: {  	_ =	swait.ge [sflag:s29], $0x1  }
0xbb: {  	[sflag:s29] =	ssyncadd.s32 $0xFFFFFFFF  }
0xbc: {  	_ =	strace $0x9000004B  }
0xbd: {  	_ =	sfence  }
0xbe: {  	s30 =	sld [smem:$0x0];
	_ =	sdelay $0x2  }
0xbf: {  	s31 =	sshll.u32 s1, $0xD;
	s1 =	sshrl.u32 s1, $0x2  }
0xc0: {  	s3 =	sand.u32 $0x4000, s31;
	s1 =	sadd.s32 s1, s30  }
0xc1: {  	s0 =	sor.u32 s3, s0;
	s1 =	sshll.u32 s1, $0x11  }
0xc2: {  	s0 =	sor.u32 s1, s0  }
0xc3: {  	s0 =	sadd.s32 $0x8F2B, s0  }
0xc4: {  	[sflag:s0] =	ssyncadd.remote.s32 $0x1  }
0xc5: {  	_ =	sfence.sel $0xFFFF  }
0xc6: {  	[dreg:$0x0] =	wrdreg $0xFFFFFFFF;
	(pc) =	sbr.abs _section_cstart, $3  }
0xc7: {  	[dreg:$0x1] =	wrdreg $0xFFFFFFFF  }
0xc8: {  	_ =	task.clear_ibuf [dreg:s7], $0x2FFFF;
	_ =	strace $0x9FFFFFFF  }
0xc9: {  	(tm) =	ssettm $0x7FFFFFFF  }
tec
execute0_lowered:
.L_overlay_start_1:
0x0: {  	(tag) =	ssettag $0x1  }
0x1: {  	s1 =	rddreg [dreg:$0x0]  }
0x2: {  	s6 =	rddreg [dreg:$0x1]  }
0x3: {  	s2 =	srdreg.scid;
	s0 =	stileid.u32  }
0x4: {  	s3 =	rddreg [dreg:$0x2];
	s4 =	simm.s32 $0x0;
	s16 =	simm.s32 $0x5000  }
0x5: {  	s17 =	simm.s32 $0x1;
	s20 =	simm.s32 $0x0;
	s7 =	sand.u32 $0x1, s2  }
0x6: {  	s5 =	sshll.u32 s0, $0x1;
	s2 =	rddreg [dreg:$0x3];
	s10 =	smul.u32 $0x4F000, s0  }
0x7: {  	[smem:$0x7FF] =	sst s4;
	s12 =	smul.u32 $0x4E000, s0;
	s13 =	sadd.s32 $0x19400, s6  }
0x8: {  	s30 =	sshll.u32 s0, $0x6;
	s14 =	smul.u32 $0x2700, s0;
	s19 =	sadd.s32 $0x138000, s3  }
0x9: {  	p0 =	sne.s32 s0, $0xF;
	s5 =	sor.u32 s7, s5;
	s28 =	smul.u32 $0x27100, s7  }
0xa: {  	_ =	strace $0x8000004A;
	s9 =	ssub.s32 $0x2, s7;
	s31 =	smul.u32 $0x138800, s7  }
0xb: {  	s19 =	sshrl.u32 @!p0 s19, $0x3;
	s5 =	smul.u32 $0x500, s5;
	s11 =	sshrl.u32 s9, $0x1  }
0xc: {  	s29 =	sshrl.u32 s10, $0x2;
	s12 =	sshrl.u32 s12, $0x2;
	s11 =	ssub.s32 s9, s11  }
0xd: {  	s15 =	sadd.s32 s29, s3;
	s18 =	sadd.s32 s12, s3;
	s9 =	sadd.s32 s14, s28  }
0xe: {  	s10 =	sshrl.u32 s31, $0x3;
	s14 =	simm.s32 $0x2800;
	s8 =	sadd.s32 s5, s6  }
0xf: {  	s5 =	sadd.s32 $0x16C00, s6;
	s6 =	sor.u32 $0x1C02, s30;
	s9 =	sadd.s32 s13, s9  }
0x10: {  	s10 =	sadd.s32 s13, s10;
	s11 =	smax.u32 s11, $0x1;
	s12 =	sshrl.u32 s15, $0x3  }
0x11: {  	s13 =	simm.s32 $0x2;
	s15 =	simm.s32 $0x80;
	s18 =	sshrl.u32 s18, $0x3  }
0x12: {  	s7 =	sadd.s32 $0xCC00, s8;
	s8 =	sadd.s32 $0x2C00, s8;
	s10 =	sadd.s32 $0x27000, s10  }
.LBB2_1:
0x13: {  	[spmem:s12], [sflag:s6] =	dma.local [hbm:s5], $0x2780  }
0x14: {  	_ =	swait.ge [sflag:s13], $0x2780  }
0x15: {  	[sflag:s13] =	ssyncset.done $0x0  }
0x16: {  	[sflag:s13] =	ssyncadd.s32 $0xFFFFD880  }
0x17: {  	[tilespmem:s4], [sflag:$0x2] =	stream.linear.gather [hbm4b:s7+s4], $0x2780, $0x38;
	[tilespmem:$0x1CC00] =	vst v63  }
0x18: {  	_ =	swait.ge [sflag:s13], $0x2780  }
0x19: {  	[sflag:s13] =	ssyncset.done $0x0  }
0x1a: {  	[sflag:s13] =	ssyncadd.s32 $0xFFFFD880  }
0x1b: {  	[tilespmem:s14], [sflag:$0x2] =	stream.linear.gather [hbm4b:s8+s4], $0x2780, $0x38;
	[tilespmem:$0x1CC00] =	vst v63  }
0x1c: {  	_ =	swait.ge [sflag:s13], $0x2780  }
0x1d: {  	[sflag:s13] =	ssyncset.done $0x0  }
0x1e: {  	[sflag:s13] =	ssyncadd.s32 $0xFFFFD880  }
0x1f: {  	s21 =	simm.s32 $0x0;
	[bflag:$0x0] =	sbarrier.arrive $0xFFFF  }
0x20: {  	[tilespmem:s16], [sflag:$0x1] =	stream.indirect.gather [hbm4b:s1+s15], $0x80, s21, s15, $0xb8;
	[tilespmem:$0x1CC00] =	vst v63  }
0x21: {  	_ =	swait.ge [sflag:s17], $0x4000  }
0x22: {  	[sflag:s17] =	ssyncset.done $0x0  }
0x23: {  	s31 =	simm.s32 $0x2800;
	[sflag:s17] =	ssyncadd.s32 $0xFFFFC000  }
0x24: {  	[spmem:s3] =	stream.indirect.scatter.add.f32 [tilespmem:s16], [sflag:$0x2], $0x80, s31, s15, $0xb8;
	[tilespmem:$0x1CC00] =	vst v63  }
0x25: {  	_ =	swait.ge [sflag:s13], $0x4000  }
0x26: {  	s22 =	simm.s32 $0x400;
	s21 =	simm.s32 $0x200;
	[sflag:s13] =	ssyncset.done $0x0  }
.LBB2_2:
0x27: {  	s23 =	sshra.s32 s21, $0x2  }
0x28: {  	[sflag:s13] =	ssyncadd.s32 $0xFFFFC000;
	s21 =	smov.u32 s22;
	s24 =	sadd.s32 $0x200, s22  }
0x29: {  	[tilespmem:s16], [sflag:$0x1] =	stream.indirect.gather [hbm4b:s1+s15], $0x80, s23, s15, $0xb8;
	[tilespmem:$0x1CC00] =	vst v63  }
0x2a: {  	p1 =	sne.s32 s22, $0x9C00;
	_ =	swait.ge [sflag:s17], $0x4000  }
.Ltmp0:
0x2b: {  	[sflag:s17] =	ssyncset.done $0x0;
	(pc) =	sbr.rel @p1 .LBB2_2-.Ltmp0, $4  }
0x2c: {  	s22 =	sadd.s32 $0x2800, s23;
	[sflag:s17] =	ssyncadd.s32 $0xFFFFC000  }
0x2d: {  	[spmem:s3] =	stream.indirect.scatter.add.f32 [tilespmem:s16], [sflag:$0x2], $0x80, s22, s15, $0xb8;
	[tilespmem:$0x1CC00] =	vst v63  }
0x2e: {  	_ =	swait.ge [sflag:s13], $0x4000  }
0x2f: {  	s22 =	smov.u32 s24;
	[sflag:s13] =	ssyncset.done $0x0  }
0x30: {  	s21 =	sshra.s32 s21, $0x2;
	[sflag:s13] =	ssyncadd.s32 $0xFFFFC000  }
0x31: {  	[tilespmem:s16], [sflag:$0x1] =	stream.indirect.gather [hbm4b:s1+s15], $0x80, s21, s15, $0xb8;
	[tilespmem:$0x1CC00] =	vst v63  }
0x32: {  	_ =	swait.ge [sflag:s17], $0x4000  }
0x33: {  	[sflag:s17] =	ssyncset.done $0x0  }
0x34: {  	s21 =	sadd.s32 $0x2800, s21;
	[sflag:s17] =	ssyncadd.s32 $0xFFFFC000  }
0x35: {  	[spmem:s3] =	stream.indirect.scatter.add.f32 [tilespmem:s16], [sflag:$0x2], $0x80, s21, s15, $0xb8;
	[tilespmem:$0x1CC00] =	vst v63  }
0x36: {  	_ =	swait.ge [sflag:s13], $0x4000  }
0x37: {  	[sflag:s13] =	ssyncset.done $0x0  }
0x38: {  	[sflag:s13] =	ssyncadd.s32 $0xFFFFC000  }
0x39: {  	[bflag:$0x0] =	sbarrier.arrive $0xFFFF  }
0x3a: {  	[hbm:s9], [sflag:s6] =	dma.local [spmem:s18], $0x2700  }
0x3b: {  	s20 =	sadd.s32 $0x1, s20;
	_ =	swait.ge [sflag:s13], $0x2700  }
0x3c: {  	p1 =	sne.s32 s20, s11;
	[sflag:s13] =	ssyncset.done $0x0  }
.Ltmp1:
0x3d: {  	s21 =	simm.s32 @!p0 $0x2;
	[sflag:s13] =	ssyncadd.s32 $0xFFFFD900;
	(pc) =	sbr.rel @p1 .LBB2_1-.Ltmp1, $4  }
0x3e: {  	[hbm:s10], [sflag:s6] =	dma.local @!p0 [spmem:s19], $0x100  }
0x3f: {  	_ =	swait.ge @!p0 [sflag:s21], $0x100  }
0x40: {  	[sflag:s21] =	ssyncset.done @!p0 $0x0  }
0x41: {  	[sflag:s21] =	ssyncadd.s32 @!p0 $0xFFFFFF00  }
0x42: {  	_ =	sfence.sel $0x180000  }
0x43: {  	[bflag:$0x0] =	sbarrier.arrive $0xFFFF  }
0x44: {  	p0 =	sne.s32 s0, $0x0;
	_ =	strace $0x9000004A  }
0x45: {  	s0 =	sadd.s32 @!p0 $0x100000, s2;
	[bflag:$0x2] =	sbarrier.arrive $0xFFFF  }
0x46: {  	[sflag:s0] =	ssyncadd.tile.s32 @!p0 $0x1;
	_ =	shalt  }
.Lfunc_end2:
_tile_overlayer_lowered:
.L_overlay_start_2:
0x47: {  	(tag) =	ssettag $0x2  }
0x48: {  	s0 =	rddreg [dreg:$0x0];
	s2 =	stileid.u32  }
0x49: {  	s1 =	rddreg [dreg:$0x1];
	p0 =	sne.s32 s2, $0x0  }
0x4a: {  	s3 =	rddreg [dreg:$0x2];
	[bflag:$0x3] =	sbarrier.arrive $0xFFFF;
	s2 =	simm.s32 @!p0 $0x1C02  }
0x4b: {  	[timem:s3], [sflag:s2] =	dma.local @!p0 [hbm:s0], s1  }
0x4c: {  	s0 =	simm.s32 @!p0 $0x2  }
0x4d: {  	_ =	swait.ge @!p0 [sflag:s0], s1  }
0x4e: {  	s1 =	ssub.s32 @!p0 $0x0, s1;
	[sflag:s0] =	ssyncset.done @!p0 $0x0  }
0x4f: {  	[sflag:s0] =	ssyncadd.s32 @!p0 s1  }
0x50: {  	[bflag:$0x3] =	sbarrier.arrive $0xFFFF  }
0x51: {  	_ =	shalt  }

// kernel: kernel.17.cloned.1.call-start
scs
__scs_entry_jumppad:
0x0: {  	(pc) =	sbr.rel $0x88, $3  }
0x1: {  	(tag) =	ssettag $0x0;
	lr =	simm.s32 $0x1  }
0x2: {  	[smem:$0x3F96] =	sst lr;
	_ =	strace $0xD0000000  }
0x3: {  	_ = 	snop  }
0x4: {  	_ = 	snop  }
0x5: {  	_ = 	snop  }
0x6: {  	_ = 	snop  }
0x7: {  	_ = 	snop  }
__scs_overlays_trampoline_lowered:
0x8: {  	[smem:$0x3FA5] =	sst s0  }
0x9: {  	[smem:$0x3FA6] =	sst s1  }
0xa: {  	[smem:$0x3FA7] =	sst s2  }
0xb: {  	[smem:$0x3FA8] =	sst s3  }
0xc: {  	[smem:$0x3FA9] =	sst s4  }
0xd: {  	[smem:$0x3FAA] =	sst s5  }
0xe: {  	[smem:$0x3FAB] =	sst s6  }
0xf: {  	[smem:$0x3FAC] =	sst s7  }
0x10: {  	[smem:$0x3FAD] =	sst s8  }
0x11: {  	[smem:$0x3FAE] =	sst s9;
	s0 =	simm.s32 @!p0 $0x0  }
0x12: {  	s1 =	sld [smem:$0x3F94];
	s0 =	simm.s32 @p0 $0x1  }
0x13: {  	[smem:$0x3FAF] =	sst s0;
	s0 =	simm.s32 @!p1 $0x0  }
0x14: {  	s2 =	sld [smem:$0x3F93];
	s0 =	simm.s32 @p1 $0x1  }
0x15: {  	[smem:$0x3FB0] =	sst s0;
	s0 =	simm.s32 @!p2 $0x0  }
0x16: {  	s3 =	sld [smem:$0x3FDB];
	s0 =	simm.s32 @p2 $0x1  }
0x17: {  	s4 =	simm.s32 $0x1BF5;
	[smem:$0x3FB2] =	sst s0  }
0x18: {  	s0 =	sld [smem:$0x3F95];
	_ =	swait.ge [sflag:s4], $0x0  }
0x19: {  	s7 =	sld [smem:$0x3F96]  }
0x1a: {  	s8 =	sadd.s32 $0xFFFFE003, lr  }
0x1b: {  	s9 =	sadd.s32 $0xFFFFFEF7, lr;
	s5 =	simm.s32 $0xFFFFFFFF;
	p2 =	slt.u32 s8, $0xFFFFF086  }
0x1c: {  	p1 =	slt.u32 s9, $0xF7A;
	s5 =	simm.s32 @!p2 $0x0  }
0x1d: {  	s5 =	simm.s32 @p1 $0x1;
	p0 =	seq.s32 s7, s2  }
0x1e: {  	s7 =	smul.u32 @!p0 $0xF7A, s2;
	p2 =	seq.s32 @!p0 s5, $0x0  }
0x1f: {  	s9 =	smul.u32 $0xF7A, s1;
	s8 =	simm.s32 @!p0 $0x1BF5;
	p2 =	por !p2, p0  }
0x20: {  	[sflag:s8] =	ssyncset.s32 @!p0 $0xFFFFF086;
	s6 =	sadd.s32 @!p0 s3, s7;
	s7 =	simm.s32 @!p0 $0x108  }
0x21: {  	s3 =	sadd.s32 s3, s9;
	s6 =	sadd.s32 @!p0 $0x88, s6;
	s7 =	simm.s32 @p2 $0x1082  }
0x22: {  	[simem:s7], [sflag:s8] =	dma.local @!p0 [hbm:s6], $0xF7A  }
0x23: {  	s9 =	sor.u32 $0xD0000000, s2;
	s6 =	simm.s32 $0x108;
	_ =	swait.ge @!p0 [sflag:s8], $0x0  }
0x24: {  	s3 =	sadd.s32 $0x88, s3;
	s6 =	simm.s32 @!p1 $0x1082;
	[sflag:s4] =	ssyncset.s32 $0xFFFFF086  }
0x25: {  	[simem:s6], [sflag:s4] =	dma.local [hbm:s3], $0xF7A  }
0x26: {  	[smem:$0x3F96] =	sst s1;
	(tag) =	ssettag s2;
	_ =	strace s9  }
0x27: {  	s1 =	sld [smem:$0x3FA6]  }
0x28: {  	s2 =	sld [smem:$0x3FA7]  }
0x29: {  	s4 =	sld [smem:$0x3FA9]  }
0x2a: {  	p0 =	seq.s32 s5, $0x0;
	s5 =	sld [smem:$0x3FAA]  }
0x2b: {  	s6 =	sld [smem:$0x3FAB]  }
0x2c: {  	s7 =	sld [smem:$0x3FAC]  }
0x2d: {  	s3 =	simm.s32 $0x108;
	s8 =	sld [smem:$0x3FAD]  }
0x2e: {  	s3 =	simm.s32 @!p0 $0x1082;
	s9 =	sld [smem:$0x3FAE]  }
0x2f: {  	lr =	sadd.s32 s0, s3;
	s0 =	sld [smem:$0x3FA5]  }
0x30: {  	s3 =	sld [smem:$0x3FA8]  }
0x31: {  	[smem:$0x3FB1] =	sst s10  }
0x32: {  	s10 =	sld [smem:$0x3FAF];
	_ =	sdelay $0x3  }
0x33: {  	p0 =	seq.s32 s10, $0x1;
	s10 =	sld [smem:$0x3FB1];
	_ =	sdelay $0x3  }
0x34: {  	[smem:$0x3FB1] =	sst s10  }
0x35: {  	s10 =	sld [smem:$0x3FB0];
	_ =	sdelay $0x3  }
0x36: {  	p1 =	seq.s32 s10, $0x1;
	s10 =	sld [smem:$0x3FB1];
	_ =	sdelay $0x3  }
0x37: {  	[smem:$0x3FB1] =	sst s10  }
0x38: {  	s10 =	sld [smem:$0x3FB2]  }
0x39: {  	_ = 	snop;
	(pc) =	sbr.ind lr, $3  }
0x3a: {  	_ = 	snop  }
0x3b: {  	_ = 	snop  }
0x3c: {  	p2 =	seq.s32 s10, $0x1;
	s10 =	sld [smem:$0x3FB1]  }
0x3d: {  	_ =	shalt  }
0x3e: {  	_ =	shalt  }
0x3f: {  	_ =	shalt  }
0x40: {  	_ =	shalt  }
0x41: {  	_ =	shalt  }
0x42: {  	_ =	shalt  }
0x43: {  	_ =	shalt  }
0x44: {  	_ =	shalt  }
0x45: {  	_ =	shalt  }
0x46: {  	_ =	shalt  }
0x47: {  	_ =	shalt  }
0x48: {  	_ =	shalt  }
0x49: {  	_ =	shalt  }
0x4a: {  	_ =	shalt  }
0x4b: {  	_ =	shalt  }
0x4c: {  	_ =	shalt  }
0x4d: {  	_ =	shalt  }
0x4e: {  	_ =	shalt  }
0x4f: {  	_ =	shalt  }
0x50: {  	_ =	shalt  }
0x51: {  	_ =	shalt  }
0x52: {  	_ =	shalt  }
0x53: {  	_ =	shalt  }
0x54: {  	_ =	shalt  }
0x55: {  	_ =	shalt  }
0x56: {  	_ =	shalt  }
0x57: {  	_ =	shalt  }
0x58: {  	_ =	shalt  }
0x59: {  	_ =	shalt  }
0x5a: {  	_ =	shalt  }
0x5b: {  	_ =	shalt  }
0x5c: {  	_ =	shalt  }
0x5d: {  	_ =	shalt  }
0x5e: {  	_ =	shalt  }
0x5f: {  	_ =	shalt  }
0x60: {  	_ =	shalt  }
0x61: {  	_ =	shalt  }
0x62: {  	_ =	shalt  }
0x63: {  	_ =	shalt  }
0x64: {  	_ =	shalt  }
0x65: {  	_ =	shalt  }
0x66: {  	_ =	shalt  }
0x67: {  	_ =	shalt  }
0x68: {  	_ =	shalt  }
0x69: {  	_ =	shalt  }
0x6a: {  	_ =	shalt  }
0x6b: {  	_ =	shalt  }
0x6c: {  	_ =	shalt  }
0x6d: {  	_ =	shalt  }
0x6e: {  	_ =	shalt  }
0x6f: {  	_ =	shalt  }
0x70: {  	_ =	shalt  }
0x71: {  	_ =	shalt  }
0x72: {  	_ =	shalt  }
0x73: {  	_ =	shalt  }
0x74: {  	_ =	shalt  }
0x75: {  	_ =	shalt  }
0x76: {  	_ =	shalt  }
0x77: {  	_ =	shalt  }
0x78: {  	_ =	shalt  }
0x79: {  	_ =	shalt  }
0x7a: {  	_ =	shalt  }
0x7b: {  	_ =	shalt  }
0x7c: {  	_ =	shalt  }
0x7d: {  	_ =	shalt  }
0x7e: {  	_ =	shalt  }
0x7f: {  	_ =	shalt  }
0x80: {  	_ =	shalt  }
0x81: {  	_ =	shalt  }
0x82: {  	_ =	shalt  }
0x83: {  	_ =	shalt  }
0x84: {  	_ =	shalt  }
0x85: {  	_ =	shalt  }
0x86: {  	_ =	shalt  }
0x87: {  	_ =	shalt  }
.Lfunc_end0:
.L_simem_size_0:
called_computation.2_lowered:
.L_overlay_start_0:
0x88: {  	s2 =	sld [smem:$0x3FD9]  }
0x89: {  	s3 =	sld [smem:$0x3FFE];
	_ =	sdelay $0x1  }
0x8a: {  	s1 =	srdreg.scid  }
0x8b: {  	s0 =	sand.u32 $0x1, s1  }
0x8c: {  	s14 =	sshll.u32 s0, $0xA;
	s2 =	sadd.s32 s3, s2  }
0x8d: {  	s2 =	sadd.s32 s2, s14  }
0x8e: {  	[smem:$0x3FBD] =	sst s2  }
0x8f: {  	_ = 	snop  }
0x90: {  	s2 =	sld [smem:$0x3FD0];
	_ =	sdelay $0x2  }
0x91: {  	s15 =	simm.s32 $0xA;
	s4 =	simm.s32 $0x10  }
0x92: {  	[smem:s4], [sflag:s15] =	dma.local [hbm:s2], $0x1  }
0x93: {  	_ =	swait.eq [sflag:s15], $0x1  }
0x94: {  	[sflag:s15] =	ssyncset.done $0x0  }
0x95: {  	[sflag:s15] =	ssyncadd.s32 $0xFFFFFFFF  }
0x96: {  	s16 =	sld [smem:$0x10];
	(tm) =	ssettm $0x1  }
0x97: {  	s17 =	sld [smem:$0x3FFB];
	_ =	sdelay $0x3  }
0x98: {  	_ =	strace s17  }
0x99: {  	s3 =	sld [smem:$0x3FFC];
	_ =	sdelay $0x3  }
0x9a: {  	_ =	strace s3  }
0x9b: {  	s3 =	sld [smem:$0x3FFD];
	_ =	sdelay $0x3  }
0x9c: {  	_ =	strace s3  }
0x9d: {  	_ =	strace $0x8FFFFFFF  }
0x9e: {  	s18 =	sld [smem:$0x3FDB];
	_ =	sdelay $0x1  }
0x9f: {  	s19 =	simm.s32 $_scs_section_size  }
0xa0: {  	s5 =	simm.s32 $_size__tile_overlayer_lowered;
	s6 =	simm.s32 $_tile_overlayer_lowered  }
0xa1: {  	s22 =	simm.s32 $0x1BFF;
	s21 =	sshll.u32 s6, $0x1;
	s3 =	sadd.s32 s19, s18  }
0xa2: {  	s7 =	simm.s32 $0x0;
	s20 =	sshll.u32 s5, $0x1;
	s5 =	sadd.s32 s21, s3  }
0xa3: {  	[timem:s7], [sflag:s22] =	dma.local [hbm:s5], s20  }
0xa4: {  	_ =	swait.ge [sflag:s22], s20  }
0xa5: {  	s4 =	ssub.s32 $0x0, s20;
	[sflag:s22] =	ssyncset.done $0x0  }
0xa6: {  	[sflag:s22] =	ssyncadd.s32 s4;
	_ =	sdelay $0x1  }
0xa7: {  	s23 =	simm.s32 $0x1B8B  }
0xa8: {  	_ =	swait.ge [sflag:s23], $0x1  }
0xa9: {  	[sflag:s23] =	ssyncset.done $0x0  }
0xaa: {  	s25 =	simm.s32 $0x1B8E;
	s24 =	sld [smem:$0x3FFE];
	[sflag:s23] =	ssyncadd.s32 $0xFFFFFFFF  }
0xab: {  	s26 =	simm.s32 $execute0_lowered;
	[smem:$0x3FD2] =	sst s25  }
0xac: {  	s5 =	sshll.u32 s26, $0x1;
	_ =	strace $0x8000004C;
	[dreg:$0x1] =	wrdreg $0xFFFFFFFF  }
0xad: {  	s28 =	simm.s32 $_size_execute0_lowered;
	s3 =	sadd.s32 s3, s5;
	[dreg:$0x0] =	wrdreg $0x0  }
0xae: {  	s5 =	sshll.u32 s28, $0x1;
	[dreg:$0x2] =	wrdreg s3  }
0xaf: {  	[dreg:$0x3] =	wrdreg s5  }
0xb0: {  	[dreg:$0x4] =	wrdreg $0xC0  }
0xb1: {  	_ =	task [dreg:s7], $0x5FFFF  }
0xb2: {  	[dreg:$0x1] =	wrdreg $0xFFFFFFFF  }
0xb3: {  	[dreg:$0x0] =	wrdreg $0x60  }
0xb4: {  	[dreg:$0x2] =	wrdreg s16  }
0xb5: {  	[dreg:$0x3] =	wrdreg s24  }
0xb6: {  	[dreg:$0x4] =	wrdreg $0x90000  }
0xb7: {  	[dreg:$0x5] =	wrdreg $0x9  }
0xb8: {  	_ =	task.clear_ibuf [dreg:s7], $0x6FFFF;
	_ =	strace $0x9000004C  }
0xb9: {  	s29 =	simm.s32 $0x9;
	_ =	strace $0x8000004E  }
0xba: {  	_ =	swait.ge [sflag:s29], $0x1  }
0xbb: {  	[sflag:s29] =	ssyncadd.s32 $0xFFFFFFFF  }
0xbc: {  	_ =	strace $0x9000004E  }
0xbd: {  	_ =	sfence  }
0xbe: {  	s30 =	sld [smem:$0x0];
	_ =	sdelay $0x2  }
0xbf: {  	s31 =	sshll.u32 s1, $0xD;
	s1 =	sshrl.u32 s1, $0x2  }
0xc0: {  	s3 =	sand.u32 $0x4000, s31;
	s1 =	sadd.s32 s1, s30  }
0xc1: {  	s0 =	sor.u32 s3, s0;
	s1 =	sshll.u32 s1, $0x11  }
0xc2: {  	s0 =	sor.u32 s1, s0  }
0xc3: {  	s0 =	sadd.s32 $0x8F2B, s0  }
0xc4: {  	[sflag:s0] =	ssyncadd.remote.s32 $0x1  }
0xc5: {  	_ =	sfence.sel $0xFFFF  }
0xc6: {  	[dreg:$0x0] =	wrdreg $0xFFFFFFFF;
	(pc) =	sbr.abs _section_cstart, $3  }
0xc7: {  	[dreg:$0x1] =	wrdreg $0xFFFFFFFF  }
0xc8: {  	_ =	task.clear_ibuf [dreg:s7], $0x2FFFF;
	_ =	strace $0x9FFFFFFF  }
0xc9: {  	(tm) =	ssettm $0x7FFFFFFF  }
tec
execute0_lowered:
.L_overlay_start_1:
0x0: {  	(tag) =	ssettag $0x1  }
0x1: {  	s1 =	rddreg [dreg:$0x0]  }
0x2: {  	s6 =	rddreg [dreg:$0x1]  }
0x3: {  	s2 =	srdreg.scid;
	s0 =	stileid.u32  }
0x4: {  	s3 =	rddreg [dreg:$0x2];
	s4 =	simm.s32 $0x0;
	s16 =	simm.s32 $0x5000  }
0x5: {  	s17 =	simm.s32 $0x1;
	s20 =	simm.s32 $0x0;
	s7 =	sand.u32 $0x1, s2  }
0x6: {  	s5 =	sshll.u32 s0, $0x1;
	s2 =	rddreg [dreg:$0x3];
	s10 =	smul.u32 $0x4F000, s0  }
0x7: {  	[smem:$0x7FF] =	sst s4;
	s12 =	smul.u32 $0x4E000, s0;
	s13 =	sadd.s32 $0x19400, s6  }
0x8: {  	s30 =	sshll.u32 s0, $0x6;
	s14 =	smul.u32 $0x2700, s0;
	s19 =	sadd.s32 $0x138000, s3  }
0x9: {  	p0 =	sne.s32 s0, $0xF;
	s5 =	sor.u32 s7, s5;
	s28 =	smul.u32 $0x27100, s7  }
0xa: {  	_ =	strace $0x8000004D;
	s9 =	ssub.s32 $0x2, s7;
	s31 =	smul.u32 $0x138800, s7  }
0xb: {  	s19 =	sshrl.u32 @!p0 s19, $0x3;
	s5 =	smul.u32 $0x500, s5;
	s11 =	sshrl.u32 s9, $0x1  }
0xc: {  	s29 =	sshrl.u32 s10, $0x2;
	s12 =	sshrl.u32 s12, $0x2;
	s11 =	ssub.s32 s9, s11  }
0xd: {  	s15 =	sadd.s32 s29, s3;
	s18 =	sadd.s32 s12, s3;
	s9 =	sadd.s32 s14, s28  }
0xe: {  	s10 =	sshrl.u32 s31, $0x3;
	s14 =	simm.s32 $0x2800;
	s8 =	sadd.s32 s5, s6  }
0xf: {  	s5 =	sadd.s32 $0x16C00, s6;
	s6 =	sor.u32 $0x1C02, s30;
	s9 =	sadd.s32 s13, s9  }
0x10: {  	s10 =	sadd.s32 s13, s10;
	s11 =	smax.u32 s11, $0x1;
	s12 =	sshrl.u32 s15, $0x3  }
0x11: {  	s13 =	simm.s32 $0x2;
	s15 =	simm.s32 $0x80;
	s18 =	sshrl.u32 s18, $0x3  }
0x12: {  	s7 =	sadd.s32 $0xCC00, s8;
	s8 =	sadd.s32 $0x2C00, s8;
	s10 =	sadd.s32 $0x27000, s10  }
.LBB2_1:
0x13: {  	[spmem:s12], [sflag:s6] =	dma.local [hbm:s5], $0x2780  }
0x14: {  	_ =	swait.ge [sflag:s13], $0x2780  }
0x15: {  	[sflag:s13] =	ssyncset.done $0x0  }
0x16: {  	[sflag:s13] =	ssyncadd.s32 $0xFFFFD880  }
0x17: {  	[tilespmem:s4], [sflag:$0x2] =	stream.linear.gather [hbm4b:s7+s4], $0x2780, $0x38;
	[tilespmem:$0x1CC00] =	vst v63  }
0x18: {  	_ =	swait.ge [sflag:s13], $0x2780  }
0x19: {  	[sflag:s13] =	ssyncset.done $0x0  }
0x1a: {  	[sflag:s13] =	ssyncadd.s32 $0xFFFFD880  }
0x1b: {  	[tilespmem:s14], [sflag:$0x2] =	stream.linear.gather [hbm4b:s8+s4], $0x2780, $0x38;
	[tilespmem:$0x1CC00] =	vst v63  }
0x1c: {  	_ =	swait.ge [sflag:s13], $0x2780  }
0x1d: {  	[sflag:s13] =	ssyncset.done $0x0  }
0x1e: {  	[sflag:s13] =	ssyncadd.s32 $0xFFFFD880  }
0x1f: {  	s21 =	simm.s32 $0x0;
	[bflag:$0x0] =	sbarrier.arrive $0xFFFF  }
0x20: {  	[tilespmem:s16], [sflag:$0x1] =	stream.indirect.gather [hbm4b:s1+s15], $0x80, s21, s15, $0xb8;
	[tilespmem:$0x1CC00] =	vst v63  }
0x21: {  	_ =	swait.ge [sflag:s17], $0x4000  }
0x22: {  	[sflag:s17] =	ssyncset.done $0x0  }
0x23: {  	s31 =	simm.s32 $0x2800;
	[sflag:s17] =	ssyncadd.s32 $0xFFFFC000  }
0x24: {  	[spmem:s3] =	stream.indirect.scatter.add.f32 [tilespmem:s16], [sflag:$0x2], $0x80, s31, s15, $0xb8;
	[tilespmem:$0x1CC00] =	vst v63  }
0x25: {  	_ =	swait.ge [sflag:s13], $0x4000  }
0x26: {  	s22 =	simm.s32 $0x400;
	s21 =	simm.s32 $0x200;
	[sflag:s13] =	ssyncset.done $0x0  }
.LBB2_2:
0x27: {  	s23 =	sshra.s32 s21, $0x2  }
0x28: {  	[sflag:s13] =	ssyncadd.s32 $0xFFFFC000;
	s21 =	smov.u32 s22;
	s24 =	sadd.s32 $0x200, s22  }
0x29: {  	[tilespmem:s16], [sflag:$0x1] =	stream.indirect.gather [hbm4b:s1+s15], $0x80, s23, s15, $0xb8;
	[tilespmem:$0x1CC00] =	vst v63  }
0x2a: {  	p1 =	sne.s32 s22, $0x9C00;
	_ =	swait.ge [sflag:s17], $0x4000  }
.Ltmp0:
0x2b: {  	[sflag:s17] =	ssyncset.done $0x0;
	(pc) =	sbr.rel @p1 .LBB2_2-.Ltmp0, $4  }
0x2c: {  	s22 =	sadd.s32 $0x2800, s23;
	[sflag:s17] =	ssyncadd.s32 $0xFFFFC000  }
0x2d: {  	[spmem:s3] =	stream.indirect.scatter.add.f32 [tilespmem:s16], [sflag:$0x2], $0x80, s22, s15, $0xb8;
	[tilespmem:$0x1CC00] =	vst v63  }
0x2e: {  	_ =	swait.ge [sflag:s13], $0x4000  }
0x2f: {  	s22 =	smov.u32 s24;
	[sflag:s13] =	ssyncset.done $0x0  }
0x30: {  	s21 =	sshra.s32 s21, $0x2;
	[sflag:s13] =	ssyncadd.s32 $0xFFFFC000  }
0x31: {  	[tilespmem:s16], [sflag:$0x1] =	stream.indirect.gather [hbm4b:s1+s15], $0x80, s21, s15, $0xb8;
	[tilespmem:$0x1CC00] =	vst v63  }
0x32: {  	_ =	swait.ge [sflag:s17], $0x4000  }
0x33: {  	[sflag:s17] =	ssyncset.done $0x0  }
0x34: {  	s21 =	sadd.s32 $0x2800, s21;
	[sflag:s17] =	ssyncadd.s32 $0xFFFFC000  }
0x35: {  	[spmem:s3] =	stream.indirect.scatter.add.f32 [tilespmem:s16], [sflag:$0x2], $0x80, s21, s15, $0xb8;
	[tilespmem:$0x1CC00] =	vst v63  }
0x36: {  	_ =	swait.ge [sflag:s13], $0x4000  }
0x37: {  	[sflag:s13] =	ssyncset.done $0x0  }
0x38: {  	[sflag:s13] =	ssyncadd.s32 $0xFFFFC000  }
0x39: {  	[bflag:$0x0] =	sbarrier.arrive $0xFFFF  }
0x3a: {  	[hbm:s9], [sflag:s6] =	dma.local [spmem:s18], $0x2700  }
0x3b: {  	s20 =	sadd.s32 $0x1, s20;
	_ =	swait.ge [sflag:s13], $0x2700  }
0x3c: {  	p1 =	sne.s32 s20, s11;
	[sflag:s13] =	ssyncset.done $0x0  }
.Ltmp1:
0x3d: {  	s21 =	simm.s32 @!p0 $0x2;
	[sflag:s13] =	ssyncadd.s32 $0xFFFFD900;
	(pc) =	sbr.rel @p1 .LBB2_1-.Ltmp1, $4  }
0x3e: {  	[hbm:s10], [sflag:s6] =	dma.local @!p0 [spmem:s19], $0x100  }
0x3f: {  	_ =	swait.ge @!p0 [sflag:s21], $0x100  }
0x40: {  	[sflag:s21] =	ssyncset.done @!p0 $0x0  }
0x41: {  	[sflag:s21] =	ssyncadd.s32 @!p0 $0xFFFFFF00  }
0x42: {  	_ =	sfence.sel $0x180000  }
0x43: {  	[bflag:$0x0] =	sbarrier.arrive $0xFFFF  }
0x44: {  	p0 =	sne.s32 s0, $0x0;
	_ =	strace $0x9000004D  }
0x45: {  	s0 =	sadd.s32 @!p0 $0x100000, s2;
	[bflag:$0x2] =	sbarrier.arrive $0xFFFF  }
0x46: {  	[sflag:s0] =	ssyncadd.tile.s32 @!p0 $0x1;
	_ =	shalt  }
.Lfunc_end2:
_tile_overlayer_lowered:
.L_overlay_start_2:
0x47: {  	(tag) =	ssettag $0x2  }
0x48: {  	s0 =	rddreg [dreg:$0x0];
	s2 =	stileid.u32  }
0x49: {  	s1 =	rddreg [dreg:$0x1];
	p0 =	sne.s32 s2, $0x0  }
0x4a: {  	s3 =	rddreg [dreg:$0x2];
	[bflag:$0x3] =	sbarrier.arrive $0xFFFF;
	s2 =	simm.s32 @!p0 $0x1C02  }
0x4b: {  	[timem:s3], [sflag:s2] =	dma.local @!p0 [hbm:s0], s1  }
0x4c: {  	s0 =	simm.s32 @!p0 $0x2  }
0x4d: {  	_ =	swait.ge @!p0 [sflag:s0], s1  }
0x4e: {  	s1 =	ssub.s32 @!p0 $0x0, s1;
	[sflag:s0] =	ssyncset.done @!p0 $0x0  }
0x4f: {  	[sflag:s0] =	ssyncadd.s32 @!p0 s1  }
0x50: {  	[bflag:$0x3] =	sbarrier.arrive $0xFFFF  }
0x51: {  	_ =	shalt  }

// kernel: kernel.20.cloned.1.call-start
scs
__scs_entry_jumppad:
0x0: {  	(pc) =	sbr.rel $0x88, $3  }
0x1: {  	(tag) =	ssettag $0x0;
	lr =	simm.s32 $0x1  }
0x2: {  	[smem:$0x3F96] =	sst lr;
	_ =	strace $0xD0000000  }
0x3: {  	_ = 	snop  }
0x4: {  	_ = 	snop  }
0x5: {  	_ = 	snop  }
0x6: {  	_ = 	snop  }
0x7: {  	_ = 	snop  }
__scs_overlays_trampoline_lowered:
0x8: {  	[smem:$0x3FA5] =	sst s0  }
0x9: {  	[smem:$0x3FA6] =	sst s1  }
0xa: {  	[smem:$0x3FA7] =	sst s2  }
0xb: {  	[smem:$0x3FA8] =	sst s3  }
0xc: {  	[smem:$0x3FA9] =	sst s4  }
0xd: {  	[smem:$0x3FAA] =	sst s5  }
0xe: {  	[smem:$0x3FAB] =	sst s6  }
0xf: {  	[smem:$0x3FAC] =	sst s7  }
0x10: {  	[smem:$0x3FAD] =	sst s8  }
0x11: {  	[smem:$0x3FAE] =	sst s9;
	s0 =	simm.s32 @!p0 $0x0  }
0x12: {  	s1 =	sld [smem:$0x3F94];
	s0 =	simm.s32 @p0 $0x1  }
0x13: {  	[smem:$0x3FAF] =	sst s0;
	s0 =	simm.s32 @!p1 $0x0  }
0x14: {  	s2 =	sld [smem:$0x3F93];
	s0 =	simm.s32 @p1 $0x1  }
0x15: {  	[smem:$0x3FB0] =	sst s0;
	s0 =	simm.s32 @!p2 $0x0  }
0x16: {  	s3 =	sld [smem:$0x3FDB];
	s0 =	simm.s32 @p2 $0x1  }
0x17: {  	s4 =	simm.s32 $0x1BF5;
	[smem:$0x3FB2] =	sst s0  }
0x18: {  	s0 =	sld [smem:$0x3F95];
	_ =	swait.ge [sflag:s4], $0x0  }
0x19: {  	s7 =	sld [smem:$0x3F96]  }
0x1a: {  	s8 =	sadd.s32 $0xFFFFE003, lr  }
0x1b: {  	s9 =	sadd.s32 $0xFFFFFEF7, lr;
	s5 =	simm.s32 $0xFFFFFFFF;
	p2 =	slt.u32 s8, $0xFFFFF086  }
0x1c: {  	p1 =	slt.u32 s9, $0xF7A;
	s5 =	simm.s32 @!p2 $0x0  }
0x1d: {  	s5 =	simm.s32 @p1 $0x1;
	p0 =	seq.s32 s7, s2  }
0x1e: {  	s7 =	smul.u32 @!p0 $0xF7A, s2;
	p2 =	seq.s32 @!p0 s5, $0x0  }
0x1f: {  	s9 =	smul.u32 $0xF7A, s1;
	s8 =	simm.s32 @!p0 $0x1BF5;
	p2 =	por !p2, p0  }
0x20: {  	[sflag:s8] =	ssyncset.s32 @!p0 $0xFFFFF086;
	s6 =	sadd.s32 @!p0 s3, s7;
	s7 =	simm.s32 @!p0 $0x108  }
0x21: {  	s3 =	sadd.s32 s3, s9;
	s6 =	sadd.s32 @!p0 $0x88, s6;
	s7 =	simm.s32 @p2 $0x1082  }
0x22: {  	[simem:s7], [sflag:s8] =	dma.local @!p0 [hbm:s6], $0xF7A  }
0x23: {  	s9 =	sor.u32 $0xD0000000, s2;
	s6 =	simm.s32 $0x108;
	_ =	swait.ge @!p0 [sflag:s8], $0x0  }
0x24: {  	s3 =	sadd.s32 $0x88, s3;
	s6 =	simm.s32 @!p1 $0x1082;
	[sflag:s4] =	ssyncset.s32 $0xFFFFF086  }
0x25: {  	[simem:s6], [sflag:s4] =	dma.local [hbm:s3], $0xF7A  }
0x26: {  	[smem:$0x3F96] =	sst s1;
	(tag) =	ssettag s2;
	_ =	strace s9  }
0x27: {  	s1 =	sld [smem:$0x3FA6]  }
0x28: {  	s2 =	sld [smem:$0x3FA7]  }
0x29: {  	s4 =	sld [smem:$0x3FA9]  }
0x2a: {  	p0 =	seq.s32 s5, $0x0;
	s5 =	sld [smem:$0x3FAA]  }
0x2b: {  	s6 =	sld [smem:$0x3FAB]  }
0x2c: {  	s7 =	sld [smem:$0x3FAC]  }
0x2d: {  	s3 =	simm.s32 $0x108;
	s8 =	sld [smem:$0x3FAD]  }
0x2e: {  	s3 =	simm.s32 @!p0 $0x1082;
	s9 =	sld [smem:$0x3FAE]  }
0x2f: {  	lr =	sadd.s32 s0, s3;
	s0 =	sld [smem:$0x3FA5]  }
0x30: {  	s3 =	sld [smem:$0x3FA8]  }
0x31: {  	[smem:$0x3FB1] =	sst s10  }
0x32: {  	s10 =	sld [smem:$0x3FAF];
	_ =	sdelay $0x3  }
0x33: {  	p0 =	seq.s32 s10, $0x1;
	s10 =	sld [smem:$0x3FB1];
	_ =	sdelay $0x3  }
0x34: {  	[smem:$0x3FB1] =	sst s10  }
0x35: {  	s10 =	sld [smem:$0x3FB0];
	_ =	sdelay $0x3  }
0x36: {  	p1 =	seq.s32 s10, $0x1;
	s10 =	sld [smem:$0x3FB1];
	_ =	sdelay $0x3  }
0x37: {  	[smem:$0x3FB1] =	sst s10  }
0x38: {  	s10 =	sld [smem:$0x3FB2]  }
0x39: {  	_ = 	snop;
	(pc) =	sbr.ind lr, $3  }
0x3a: {  	_ = 	snop  }
0x3b: {  	_ = 	snop  }
0x3c: {  	p2 =	seq.s32 s10, $0x1;
	s10 =	sld [smem:$0x3FB1]  }
0x3d: {  	_ =	shalt  }
0x3e: {  	_ =	shalt  }
0x3f: {  	_ =	shalt  }
0x40: {  	_ =	shalt  }
0x41: {  	_ =	shalt  }
0x42: {  	_ =	shalt  }
0x43: {  	_ =	shalt  }
0x44: {  	_ =	shalt  }
0x45: {  	_ =	shalt  }
0x46: {  	_ =	shalt  }
0x47: {  	_ =	shalt  }
0x48: {  	_ =	shalt  }
0x49: {  	_ =	shalt  }
0x4a: {  	_ =	shalt  }
0x4b: {  	_ =	shalt  }
0x4c: {  	_ =	shalt  }
0x4d: {  	_ =	shalt  }
0x4e: {  	_ =	shalt  }
0x4f: {  	_ =	shalt  }
0x50: {  	_ =	shalt  }
0x51: {  	_ =	shalt  }
0x52: {  	_ =	shalt  }
0x53: {  	_ =	shalt  }
0x54: {  	_ =	shalt  }
0x55: {  	_ =	shalt  }
0x56: {  	_ =	shalt  }
0x57: {  	_ =	shalt  }
0x58: {  	_ =	shalt  }
0x59: {  	_ =	shalt  }
0x5a: {  	_ =	shalt  }
0x5b: {  	_ =	shalt  }
0x5c: {  	_ =	shalt  }
0x5d: {  	_ =	shalt  }
0x5e: {  	_ =	shalt  }
0x5f: {  	_ =	shalt  }
0x60: {  	_ =	shalt  }
0x61: {  	_ =	shalt  }
0x62: {  	_ =	shalt  }
0x63: {  	_ =	shalt  }
0x64: {  	_ =	shalt  }
0x65: {  	_ =	shalt  }
0x66: {  	_ =	shalt  }
0x67: {  	_ =	shalt  }
0x68: {  	_ =	shalt  }
0x69: {  	_ =	shalt  }
0x6a: {  	_ =	shalt  }
0x6b: {  	_ =	shalt  }
0x6c: {  	_ =	shalt  }
0x6d: {  	_ =	shalt  }
0x6e: {  	_ =	shalt  }
0x6f: {  	_ =	shalt  }
0x70: {  	_ =	shalt  }
0x71: {  	_ =	shalt  }
0x72: {  	_ =	shalt  }
0x73: {  	_ =	shalt  }
0x74: {  	_ =	shalt  }
0x75: {  	_ =	shalt  }
0x76: {  	_ =	shalt  }
0x77: {  	_ =	shalt  }
0x78: {  	_ =	shalt  }
0x79: {  	_ =	shalt  }
0x7a: {  	_ =	shalt  }
0x7b: {  	_ =	shalt  }
0x7c: {  	_ =	shalt  }
0x7d: {  	_ =	shalt  }
0x7e: {  	_ =	shalt  }
0x7f: {  	_ =	shalt  }
0x80: {  	_ =	shalt  }
0x81: {  	_ =	shalt  }
0x82: {  	_ =	shalt  }
0x83: {  	_ =	shalt  }
0x84: {  	_ =	shalt  }
0x85: {  	_ =	shalt  }
0x86: {  	_ =	shalt  }
0x87: {  	_ =	shalt  }
.Lfunc_end0:
.L_simem_size_0:
called_computation.3_lowered:
.L_overlay_start_0:
0x88: {  	s2 =	sld [smem:$0x3FD9]  }
0x89: {  	s3 =	sld [smem:$0x3FFE];
	_ =	sdelay $0x1  }
0x8a: {  	s1 =	srdreg.scid  }
0x8b: {  	s0 =	sand.u32 $0x1, s1  }
0x8c: {  	s14 =	sshll.u32 s0, $0xA;
	s2 =	sadd.s32 s3, s2  }
0x8d: {  	s2 =	sadd.s32 s2, s14  }
0x8e: {  	[smem:$0x3FBD] =	sst s2  }
0x8f: {  	_ = 	snop  }
0x90: {  	s2 =	sld [smem:$0x3FD0];
	_ =	sdelay $0x2  }
0x91: {  	s15 =	simm.s32 $0xA;
	s4 =	simm.s32 $0x10  }
0x92: {  	[smem:s4], [sflag:s15] =	dma.local [hbm:s2], $0x1  }
0x93: {  	_ =	swait.eq [sflag:s15], $0x1  }
0x94: {  	[sflag:s15] =	ssyncset.done $0x0  }
0x95: {  	[sflag:s15] =	ssyncadd.s32 $0xFFFFFFFF  }
0x96: {  	s16 =	sld [smem:$0x11];
	(tm) =	ssettm $0x1  }
0x97: {  	s17 =	sld [smem:$0x3FFB];
	_ =	sdelay $0x3  }
0x98: {  	_ =	strace s17  }
0x99: {  	s3 =	sld [smem:$0x3FFC];
	_ =	sdelay $0x3  }
0x9a: {  	_ =	strace s3  }
0x9b: {  	s3 =	sld [smem:$0x3FFD];
	_ =	sdelay $0x3  }
0x9c: {  	_ =	strace s3  }
0x9d: {  	_ =	strace $0x8FFFFFFF  }
0x9e: {  	s18 =	sld [smem:$0x3FDB];
	_ =	sdelay $0x1  }
0x9f: {  	s19 =	simm.s32 $_scs_section_size  }
0xa0: {  	s5 =	simm.s32 $_size__tile_overlayer_lowered;
	s6 =	simm.s32 $_tile_overlayer_lowered  }
0xa1: {  	s22 =	simm.s32 $0x1BFF;
	s21 =	sshll.u32 s6, $0x1;
	s3 =	sadd.s32 s19, s18  }
0xa2: {  	s7 =	simm.s32 $0x0;
	s20 =	sshll.u32 s5, $0x1;
	s5 =	sadd.s32 s21, s3  }
0xa3: {  	[timem:s7], [sflag:s22] =	dma.local [hbm:s5], s20  }
0xa4: {  	_ =	swait.ge [sflag:s22], s20  }
0xa5: {  	s4 =	ssub.s32 $0x0, s20;
	[sflag:s22] =	ssyncset.done $0x0  }
0xa6: {  	[sflag:s22] =	ssyncadd.s32 s4;
	_ =	sdelay $0x1  }
0xa7: {  	s23 =	simm.s32 $0x1B8B  }
0xa8: {  	_ =	swait.ge [sflag:s23], $0x1  }
0xa9: {  	[sflag:s23] =	ssyncset.done $0x0  }
0xaa: {  	s25 =	simm.s32 $0x1B8E;
	s24 =	sld [smem:$0x3FFE];
	[sflag:s23] =	ssyncadd.s32 $0xFFFFFFFF  }
0xab: {  	s26 =	simm.s32 $execute0_lowered;
	[smem:$0x3FD2] =	sst s25  }
0xac: {  	s5 =	sshll.u32 s26, $0x1;
	_ =	strace $0x8000004F;
	[dreg:$0x1] =	wrdreg $0xFFFFFFFF  }
0xad: {  	s28 =	simm.s32 $_size_execute0_lowered;
	s3 =	sadd.s32 s3, s5;
	[dreg:$0x0] =	wrdreg $0x0  }
0xae: {  	s5 =	sshll.u32 s28, $0x1;
	[dreg:$0x2] =	wrdreg s3  }
0xaf: {  	[dreg:$0x3] =	wrdreg s5  }
0xb0: {  	[dreg:$0x4] =	wrdreg $0xC0  }
0xb1: {  	_ =	task [dreg:s7], $0x5FFFF  }
0xb2: {  	[dreg:$0x1] =	wrdreg $0xFFFFFFFF  }
0xb3: {  	[dreg:$0x0] =	wrdreg $0x60  }
0xb4: {  	[dreg:$0x2] =	wrdreg s24  }
0xb5: {  	[dreg:$0x3] =	wrdreg s16  }
0xb6: {  	[dreg:$0x4] =	wrdreg $0x9  }
0xb7: {  	_ =	task.clear_ibuf [dreg:s7], $0x5FFFF;
	_ =	strace $0x9000004F  }
0xb8: {  	s29 =	simm.s32 $0x9;
	_ =	strace $0x80000051  }
0xb9: {  	_ =	swait.ge [sflag:s29], $0x1  }
0xba: {  	[sflag:s29] =	ssyncadd.s32 $0xFFFFFFFF  }
0xbb: {  	_ =	strace $0x90000051  }
0xbc: {  	_ =	sfence  }
0xbd: {  	s30 =	sld [smem:$0x0];
	_ =	sdelay $0x2  }
0xbe: {  	s31 =	sshll.u32 s1, $0xD;
	s1 =	sshrl.u32 s1, $0x2  }
0xbf: {  	s3 =	sand.u32 $0x4000, s31;
	s1 =	sadd.s32 s1, s30  }
0xc0: {  	s0 =	sor.u32 s3, s0;
	s1 =	sshll.u32 s1, $0x11  }
0xc1: {  	s0 =	sor.u32 s1, s0  }
0xc2: {  	s0 =	sadd.s32 $0x8F2B, s0  }
0xc3: {  	[sflag:s0] =	ssyncadd.remote.s32 $0x1  }
0xc4: {  	_ =	sfence.sel $0xFFFF  }
0xc5: {  	[dreg:$0x0] =	wrdreg $0xFFFFFFFF;
	(pc) =	sbr.abs _section_cstart, $3  }
0xc6: {  	[dreg:$0x1] =	wrdreg $0xFFFFFFFF  }
0xc7: {  	_ =	task.clear_ibuf [dreg:s7], $0x2FFFF;
	_ =	strace $0x9FFFFFFF  }
0xc8: {  	(tm) =	ssettm $0x7FFFFFFF  }
0xc9: {  	_ =	shalt  }
tec
execute0_lowered:
.L_overlay_start_1:
0x0: {  	(tag) =	ssettag $0x1  }
0x1: {  	s9 =	rddreg [dreg:$0x0]  }
0x2: {  	s1 =	srdreg.scid;
	s0 =	stileid.u32  }
0x3: {  	s3 =	rddreg [dreg:$0x1];
	s10 =	sand.u32 $0x1, s1;
	s4 =	sshll.u32 s0, $0x1  }
0x4: {  	s2 =	simm.s32 $0x0;
	s1 =	rddreg [dreg:$0x2];
	s6 =	sor.u32 s10, s4  }
0x5: {  	[smem:$0x7FF] =	sst s2;
	s4 =	sshll.u32 s6, $0x5  }
0x6: {  	_ =	strace $0x80000050;
	s4 =	sadd.s32 s3, s4;
	s3 =	simm.s32 $0x2  }
0x7: {  	[tilespmem:s2], [sflag:$0x2] =	stream.linear.gather [hbm4b:s4+s2], $0x100, $0x38;
	[tilespmem:$0x2900] =	vst v63  }
0x8: {  	s7 =	simm.s32 $0x100;
	_ =	swait.ge [sflag:s3], $0x100  }
0x9: {  	s8 =	simm.s32 $0x1;
	s5 =	sadd.s32 $0x2C00, s9;
	[sflag:s3] =	ssyncset.done $0x0  }
0xa: {  	s11 =	smul.u32 $0xA00, s6;
	s6 =	simm.s32 $0x50;
	[sflag:s3] =	ssyncadd.s32 $0xFFFFFF00  }
0xb: {  	[tilespmem:s7], [sflag:$0x1] =	stream.indirect.gather [hbm4b:s5+s6], $0x80, s2, s6, $0xb8;
	[tilespmem:$0x2900] =	vst v63  }
0xc: {  	_ =	swait.ge [sflag:s8], $0x2800  }
0xd: {  	s11 =	sadd.s32 s11, s9;
	[sflag:s8] =	ssyncset.done $0x0  }
0xe: {  	s12 =	ssub.s32 $0x2, s10;
	s9 =	sadd.s32 $0x29E00, s11;
	[sflag:s8] =	ssyncadd.s32 $0xFFFFD800  }
0xf: {  	[hbm4b:s9+s2] =	stream.linear.scatter [tilespmem:s7], [sflag:$0x2], $0x2800, $0x38;
	[tilespmem:$0x2900] =	vst v63  }
0x10: {  	s13 =	sshrl.u32 s12, $0x1;
	_ =	swait.ge [sflag:s3], $0x2800  }
0x11: {  	s12 =	ssub.s32 s12, s13;
	[sflag:s3] =	ssyncset.done $0x0  }
0x12: {  	s10 =	simm.s32 $0x80;
	s12 =	smax.u32 s12, $0x1;
	[sflag:s3] =	ssyncadd.s32 $0xFFFFD800  }
0x13: {  	[tilespmem:s7], [sflag:$0x1] =	stream.indirect.gather [hbm4b:s5+s6], $0x80, s10, s6, $0xb8;
	[tilespmem:$0x2900] =	vst v63  }
0x14: {  	p0 =	sne.s32 s12, $0x1;
	_ =	swait.ge [sflag:s8], $0x2800  }
.Ltmp0:
0x15: {  	[sflag:s8] =	ssyncset.done $0x0;
	(pc) =	sbr.rel @!p0 .LBB2_2-.Ltmp0, $4  }
0x16: {  	s11 =	sadd.s32 $0x2A300, s11;
	[sflag:s8] =	ssyncadd.s32 $0xFFFFD800  }
0x17: {  	[hbm4b:s11+s2] =	stream.linear.scatter [tilespmem:s7], [sflag:$0x2], $0x2800, $0x38;
	[tilespmem:$0x2900] =	vst v63  }
0x18: {  	_ =	swait.ge [sflag:s3], $0x2800  }
0x19: {  	s12 =	sadd.s32 $0xFFFFFFFF, s12;
	[sflag:s3] =	ssyncset.done $0x0  }
.LBB2_1:
0x1a: {  	p0 =	sne.s32 s12, $0x1;
	s12 =	sadd.s32 $0xFFFFFFFF, s12;
	[sflag:s3] =	ssyncadd.s32 $0xFFFFD800  }
0x1b: {  	[tilespmem:s2], [sflag:$0x2] =	stream.linear.gather [hbm4b:s4+s2], $0x100, $0x38;
	[tilespmem:$0x2900] =	vst v63  }
0x1c: {  	_ =	swait.ge [sflag:s3], $0x100  }
0x1d: {  	[sflag:s3] =	ssyncset.done $0x0  }
0x1e: {  	[sflag:s3] =	ssyncadd.s32 $0xFFFFFF00  }
0x1f: {  	[tilespmem:s7], [sflag:$0x1] =	stream.indirect.gather [hbm4b:s5+s6], $0x80, s2, s6, $0xb8;
	[tilespmem:$0x2900] =	vst v63  }
0x20: {  	_ =	swait.ge [sflag:s8], $0x2800  }
0x21: {  	[sflag:s8] =	ssyncset.done $0x0  }
0x22: {  	[sflag:s8] =	ssyncadd.s32 $0xFFFFD800  }
0x23: {  	[hbm4b:s9+s2] =	stream.linear.scatter [tilespmem:s7], [sflag:$0x2], $0x2800, $0x38;
	[tilespmem:$0x2900] =	vst v63  }
0x24: {  	_ =	swait.ge [sflag:s3], $0x2800  }
0x25: {  	[sflag:s3] =	ssyncset.done $0x0  }
0x26: {  	[sflag:s3] =	ssyncadd.s32 $0xFFFFD800  }
0x27: {  	[tilespmem:s7], [sflag:$0x1] =	stream.indirect.gather [hbm4b:s5+s6], $0x80, s10, s6, $0xb8;
	[tilespmem:$0x2900] =	vst v63  }
0x28: {  	_ =	swait.ge [sflag:s8], $0x2800  }
.Ltmp1:
0x29: {  	[sflag:s8] =	ssyncset.done $0x0;
	(pc) =	sbr.rel @p0 .LBB2_1-.Ltmp1, $4  }
0x2a: {  	[sflag:s8] =	ssyncadd.s32 $0xFFFFD800  }
0x2b: {  	[hbm4b:s11+s2] =	stream.linear.scatter [tilespmem:s7], [sflag:$0x2], $0x2800, $0x38;
	[tilespmem:$0x2900] =	vst v63  }
0x2c: {  	_ =	swait.ge [sflag:s3], $0x2800  }
0x2d: {  	[sflag:s3] =	ssyncset.done $0x0  }
.LBB2_2:
0x2e: {  	[sflag:s3] =	ssyncadd.s32 $0xFFFFD800  }
0x2f: {  	_ =	sfence.sel $0x180000  }
0x30: {  	[bflag:$0x0] =	sbarrier.arrive $0xFFFF  }
0x31: {  	p0 =	sne.s32 s0, $0x0;
	_ =	strace $0x90000050  }
0x32: {  	s0 =	sadd.s32 @!p0 $0x100000, s1;
	[bflag:$0x2] =	sbarrier.arrive $0xFFFF  }
0x33: {  	[sflag:s0] =	ssyncadd.tile.s32 @!p0 $0x1;
	_ =	shalt  }
.Lfunc_end2:
_tile_overlayer_lowered:
.L_overlay_start_2:
0x34: {  	(tag) =	ssettag $0x2  }
0x35: {  	s0 =	rddreg [dreg:$0x0];
	s2 =	stileid.u32  }
0x36: {  	s1 =	rddreg [dreg:$0x1];
	p0 =	sne.s32 s2, $0x0  }
0x37: {  	s3 =	rddreg [dreg:$0x2];
	[bflag:$0x3] =	sbarrier.arrive $0xFFFF;
	s2 =	simm.s32 @!p0 $0x1C02  }
0x38: {  	[timem:s3], [sflag:s2] =	dma.local @!p0 [hbm:s0], s1  }
0x39: {  	s0 =	simm.s32 @!p0 $0x2  }
0x3a: {  	_ =	swait.ge @!p0 [sflag:s0], s1  }
0x3b: {  	s1 =	ssub.s32 @!p0 $0x0, s1;
	[sflag:s0] =	ssyncset.done @!p0 $0x0  }
0x3c: {  	[sflag:s0] =	ssyncadd.s32 @!p0 s1  }
0x3d: {  	[bflag:$0x3] =	sbarrier.arrive $0xFFFF  }
0x3e: {  	_ =	shalt  }

</sc_bundles>
